<compile_context>
chip_gen: v7x
topology: tpu7x:2x2x1
jax: 0.10.2.dev20260603
libtpu: 0.0.44.dev20260713+nightly
codegen_flags: <defaults>
</compile_context>

<pallas_src>
import functools

import jax
import jax.numpy as jnp
from jax import lax
from jax.experimental import pallas as pl
from jax.experimental.pallas import tpu as pltpu
from jax.experimental.pallas import tpu_sc as plsc

_NC = 2
_NS = 16
_NW = _NC * _NS
_CHUNK = 128
_NBUF = 7


def _bases(n):
    g = n // 8
    return [(w * g // _NW) * 8 for w in range(_NW + 1)]


@functools.lru_cache(maxsize=None)
def _make_gather(n_rows, n_chunks, s_lo, s_hi, d):
    mesh = plsc.VectorSubcoreMesh(core_axis_name="c", subcore_axis_name="s")
    g = n_rows // 8
    n_steady = ((n_chunks - _NBUF) // _NBUF) * _NBUF
    assert n_steady >= _NBUF

    def body(x_hbm, idx_hbm, out_hbm, idx_v, bufs, gsem):
        wid = lax.axis_index("s") * _NC + lax.axis_index("c")
        base = (wid * g // _NW) * 8
        size = ((wid + 1) * g // _NW) * 8 - base

        off0 = pl.multiple_of(base, 8)
        pltpu.sync_copy(idx_hbm.at[pl.ds(off0, s_lo)], idx_v.at[pl.ds(0, s_lo)])
        if s_hi > s_lo:

            @pl.when(size > s_lo)
            def _rest():
                off = pl.multiple_of(base + s_lo, 8)
                pltpu.sync_copy(
                    idx_hbm.at[pl.ds(off, s_hi - s_lo)],
                    idx_v.at[pl.ds(s_lo, s_hi - s_lo)],
                )

        def start(j):
            return pl.multiple_of(jnp.minimum(j * _CHUNK, size - _CHUNK), 8)

        def gdesc(j, b):
            return pltpu.make_async_copy(
                x_hbm.at[idx_v.at[pl.ds(start(j), _CHUNK)]],
                bufs.at[b],
                gsem.at[b],
            )

        def drain_and_write(j, b):
            gdesc(j, b).wait()
            off = pl.multiple_of(base + start(j), 8)
            pltpu.sync_copy(bufs.at[b], out_hbm.at[pl.ds(off, _CHUNK)])

        for b in range(_NBUF):
            gdesc(b, b).start()

        @pl.loop(0, n_steady, step=_NBUF)
        def _steady(j0):
            for b in range(_NBUF):
                drain_and_write(j0 + b, b)
                gdesc(j0 + b + _NBUF, b).start()

        for j in range(n_steady, n_chunks):
            drain_and_write(j, j % _NBUF)

    return pl.kernel(
        body,
        out_type=jax.ShapeDtypeStruct((n_rows, d), jnp.float32),
        mesh=mesh,
        scratch_types=[
            pltpu.VMEM((s_hi,), jnp.int32),
            pltpu.VMEM((_NBUF, _CHUNK, d), jnp.float32),
            pltpu.SemaphoreType.DMA((_NBUF,)),
        ],
    )


def kernel(x, upsamples):
    n = upsamples.shape[0]
    d = x.shape[1]
    idx = upsamples[:, 0].astype(jnp.int32)

    bases = _bases(n)
    sizes = [bases[w + 1] - bases[w] for w in range(_NW)]
    s_lo, s_hi = min(sizes), max(sizes)
    n_chunks = -(-s_hi // _CHUNK)
    assert (n_chunks - 1) * _CHUNK <= s_lo
    assert s_hi - s_lo in (0, 8)
    return _make_gather(n, n_chunks, s_lo, s_hi, d)(x, idx)

# --- scband reference (transcript-rebuilt; emitter-appended) ---
"""Pipeline reference for scband-nearest-upsample-block-9723805958420 (READ-ONLY COPY).

The authoritative reference and input builder live on the scoring server;
editing this copy changes nothing except your own understanding.
"""

import jax, jax.numpy as jnp
import numpy as np


def setup_inputs(seed: int = 0) -> dict:
    key = jax.random.key(seed)
    k1, k2 = jax.random.split(key)
    x = jax.random.normal(k1, (50000, 128), dtype=jnp.float32)
    upsamples = jax.random.randint(k2, (200000, 16), 0, 50000, dtype=jnp.int64)
    return {"x": x, "upsamples": upsamples}


def reference(x, upsamples):
    # closest_pool: pad x with a zero row (shadow point), then gather using
    # only the first neighbor column (nearest neighbor upsampling).
    x_padded = jnp.concatenate([x, jnp.zeros_like(x[:1, :])], axis=0)
    return jnp.take(x_padded, upsamples[:, 0], axis=0)

if __name__ == "__main__":
    import jax
    _d = setup_inputs()
    print(jax.jit(kernel)(*tuple(_d.values())))

</pallas_src>

<mosaic_0001>
#map = affine_map<(d0, d1) -> (0, 0)>
#map1 = affine_map<(d0, d1) -> (0)>
module attributes {stable_mosaic.version = 14 : i64} {
  func.func @body(%arg0: i32, %arg1: i32, %arg2: memref<50000x128xf32, #tpu.memory_space<hbm>>, %arg3: memref<200000xi32, #tpu.memory_space<hbm>>, %arg4: memref<200000x128xf32, #tpu.memory_space<hbm>>, %arg5: memref<6256xi32, #tpu.memory_space<vmem>>, %arg6: memref<7x128x128xf32, #tpu.memory_space<vmem>>, %arg7: memref<7x!tpu.dma_semaphore, #tpu.memory_space<semaphore_mem>>) attributes {dimension_semantics = [#tpu.dimension_semantics<core_parallel>, #tpu.dimension_semantics<subcore_parallel>], iteration_bounds = array<i64: 2, 16>, scalar_prefetch = 0 : i64, scratch_operands = 3 : i64, tpu.core_type = #tpu.core_type<sc_vector_subcore>, window_params = [{transform_indices = #map}, {transform_indices = #map1}, {transform_indices = #map}]} {
    %mul3A = arith.constant 2 : i32
    %mul3A_0 = arith.muli %arg1, %mul3A : i32
    %add3A = arith.addi %mul3A_0, %arg0 : i32
    %mul3A_1 = arith.constant 25000 : i32
    %mul3A_2 = arith.muli %add3A, %mul3A_1 : i32
    %jit3A = arith.constant 32 : i32
    %div3A = arith.divsi %mul3A_2, %jit3A : i32
    %sign3A = arith.constant 0 : i32
    %sign3A_3 = arith.cmpi sgt, %mul3A_2, %sign3A : i32
    %sign3A_4 = arith.extui %sign3A_3 : i1 to i32
    %sign3A_5 = arith.constant 0 : i32
    %sign3A_6 = arith.cmpi slt, %mul3A_2, %sign3A_5 : i32
    %sign3A_7 = arith.extui %sign3A_6 : i1 to i32
    %sign3A_8 = arith.subi %sign3A_4, %sign3A_7 : i32
    %sign3A_9 = arith.constant 0 : i32
    %sign3A_10 = arith.cmpi sgt, %jit3A, %sign3A_9 : i32
    %sign3A_11 = arith.extui %sign3A_10 : i1 to i32
    %sign3A_12 = arith.constant 0 : i32
    %sign3A_13 = arith.cmpi slt, %jit3A, %sign3A_12 : i32
    %sign3A_14 = arith.extui %sign3A_13 : i1 to i32
    %sign3A_15 = arith.subi %sign3A_11, %sign3A_14 : i32
    %ne3A = arith.cmpi ne, %sign3A_8, %sign3A_15 : i32
    %rem3A = arith.remsi %mul3A_2, %jit3A : i32
    %ne3A_16 = arith.constant 0 : i32
    %ne3A_17 = arith.cmpi ne, %rem3A, %ne3A_16 : i32
    %and3A = arith.andi %ne3A, %ne3A_17 : i1
    %sub3A = arith.constant 1 : i32
    %sub3A_18 = arith.subi %div3A, %sub3A : i32
    %select_n3A = arith.select %and3A, %sub3A_18, %div3A : i32
    %mul3A_19 = arith.constant 8 : i32
    %mul3A_20 = arith.muli %select_n3A, %mul3A_19 : i32
    %add3A_21 = arith.constant 1 : i32
    %add3A_22 = arith.addi %add3A, %add3A_21 : i32
    %mul3A_23 = arith.constant 25000 : i32
    %mul3A_24 = arith.muli %add3A_22, %mul3A_23 : i32
    %jit3A_25 = arith.constant 32 : i32
    %div3A_26 = arith.divsi %mul3A_24, %jit3A_25 : i32
    %sign3A_27 = arith.constant 0 : i32
    %sign3A_28 = arith.cmpi sgt, %mul3A_24, %sign3A_27 : i32
    %sign3A_29 = arith.extui %sign3A_28 : i1 to i32
    %sign3A_30 = arith.constant 0 : i32
    %sign3A_31 = arith.cmpi slt, %mul3A_24, %sign3A_30 : i32
    %sign3A_32 = arith.extui %sign3A_31 : i1 to i32
    %sign3A_33 = arith.subi %sign3A_29, %sign3A_32 : i32
    %sign3A_34 = arith.constant 0 : i32
    %sign3A_35 = arith.cmpi sgt, %jit3A_25, %sign3A_34 : i32
    %sign3A_36 = arith.extui %sign3A_35 : i1 to i32
    %sign3A_37 = arith.constant 0 : i32
    %sign3A_38 = arith.cmpi slt, %jit3A_25, %sign3A_37 : i32
    %sign3A_39 = arith.extui %sign3A_38 : i1 to i32
    %sign3A_40 = arith.subi %sign3A_36, %sign3A_39 : i32
    %ne3A_41 = arith.cmpi ne, %sign3A_33, %sign3A_40 : i32
    %rem3A_42 = arith.remsi %mul3A_24, %jit3A_25 : i32
    %ne3A_43 = arith.constant 0 : i32
    %ne3A_44 = arith.cmpi ne, %rem3A_42, %ne3A_43 : i32
    %and3A_45 = arith.andi %ne3A_41, %ne3A_44 : i1
    %sub3A_46 = arith.constant 1 : i32
    %sub3A_47 = arith.subi %div3A_26, %sub3A_46 : i32
    %select_n3A_48 = arith.select %and3A_45, %sub3A_47, %div3A_26 : i32
    %mul3A_49 = arith.constant 8 : i32
    %mul3A_50 = arith.muli %select_n3A_48, %mul3A_49 : i32
    %sub3A_51 = arith.subi %mul3A_50, %mul3A_20 : i32
    %multiple_of3A = tpu.assume_multiple %mul3A_20, 8 : i32
    "tpu.region"() ({
      %run_scoped3A_348 = tpu.sem_alloc : memref<!tpu.dma_semaphore, #tpu.memory_space<semaphore_mem>>
      %dma_start3A_349 = arith.constant 0 : i32
      %dma_start3A_350 = tpu.memref_slice %arg5[%dma_start3A_349] : memref<6256xi32, #tpu.memory_space<vmem>> -> memref<6248xi32, #tpu.memory_space<vmem>>
      %dma_start3A_351 = tpu.memref_slice %arg3[%multiple_of3A] : memref<200000xi32, #tpu.memory_space<hbm>> -> memref<6248xi32, #tpu.memory_space<hbm>>
      %dma_start3A_352 = arith.constant 0 : i32
      %dma_start3A_353 = tpu.memref_slice %arg5[%dma_start3A_352] : memref<6256xi32, #tpu.memory_space<vmem>> -> memref<6248xi32, #tpu.memory_space<vmem>>
      %dma_start3A_354 = tpu.memref_slice %arg3[%multiple_of3A] : memref<200000xi32, #tpu.memory_space<hbm>> -> memref<6248xi32, #tpu.memory_space<hbm>>
      tpu.enqueue_dma source(%dma_start3A_354 : memref<6248xi32, #tpu.memory_space<hbm>>) target(%dma_start3A_353 : memref<6248xi32, #tpu.memory_space<vmem>>) target_semaphore(%run_scoped3A_348 : memref<!tpu.dma_semaphore, #tpu.memory_space<semaphore_mem>>)
      %dma_wait3A_355 = arith.constant 0 : i32
      %dma_wait3A_356 = tpu.memref_slice %arg5[%dma_wait3A_355] : memref<6256xi32, #tpu.memory_space<vmem>> -> memref<6248xi32, #tpu.memory_space<vmem>>
      %dma_wait3A_357 = tpu.memref_slice %arg3[%multiple_of3A] : memref<200000xi32, #tpu.memory_space<hbm>> -> memref<6248xi32, #tpu.memory_space<hbm>>
      %dma_wait3A_358 = arith.constant 0 : i32
      %dma_wait3A_359 = tpu.memref_slice %arg5[%dma_wait3A_358] : memref<6256xi32, #tpu.memory_space<vmem>> -> memref<6248xi32, #tpu.memory_space<vmem>>
      %dma_wait3A_360 = tpu.memref_slice %arg3[%multiple_of3A] : memref<200000xi32, #tpu.memory_space<hbm>> -> memref<6248xi32, #tpu.memory_space<hbm>>
      tpu.wait_dma2 semaphore(%run_scoped3A_348 : memref<!tpu.dma_semaphore, #tpu.memory_space<semaphore_mem>>) src(%dma_wait3A_360 : memref<6248xi32, #tpu.memory_space<hbm>>) dst(%dma_wait3A_359 : memref<6248xi32, #tpu.memory_space<vmem>>)
      tpu.yield
    }) : () -> ()
    %gt3A = arith.constant 6248 : i32
    %gt3A_52 = arith.cmpi sgt, %sub3A_51, %gt3A : i32
    %convert_element_type3A = arith.extui %gt3A_52 : i1 to i32
    %cond3A = arith.constant 0 : i32
    %cond3A_53 = arith.cmpi ne, %convert_element_type3A, %cond3A : i32
    scf.if %cond3A_53 {
      %add3A_348 = arith.constant 6248 : i32
      %add3A_349 = arith.addi %mul3A_20, %add3A_348 : i32
      %multiple_of3A_350 = tpu.assume_multiple %add3A_349, 8 : i32
      "tpu.region"() ({
        %run_scoped3A_351 = tpu.sem_alloc : memref<!tpu.dma_semaphore, #tpu.memory_space<semaphore_mem>>
        %dma_start3A_352 = arith.constant 6248 : i32
        %dma_start3A_353 = tpu.memref_slice %arg5[%dma_start3A_352] : memref<6256xi32, #tpu.memory_space<vmem>> -> memref<8xi32, #tpu.memory_space<vmem>>
        %dma_start3A_354 = tpu.memref_slice %arg3[%multiple_of3A_350] : memref<200000xi32, #tpu.memory_space<hbm>> -> memref<8xi32, #tpu.memory_space<hbm>>
        %dma_start3A_355 = arith.constant 6248 : i32
        %dma_start3A_356 = tpu.memref_slice %arg5[%dma_start3A_355] : memref<6256xi32, #tpu.memory_space<vmem>> -> memref<8xi32, #tpu.memory_space<vmem>>
        %dma_start3A_357 = tpu.memref_slice %arg3[%multiple_of3A_350] : memref<200000xi32, #tpu.memory_space<hbm>> -> memref<8xi32, #tpu.memory_space<hbm>>
        tpu.enqueue_dma source(%dma_start3A_357 : memref<8xi32, #tpu.memory_space<hbm>>) target(%dma_start3A_356 : memref<8xi32, #tpu.memory_space<vmem>>) target_semaphore(%run_scoped3A_351 : memref<!tpu.dma_semaphore, #tpu.memory_space<semaphore_mem>>)
        %dma_wait3A_358 = arith.constant 6248 : i32
        %dma_wait3A_359 = tpu.memref_slice %arg5[%dma_wait3A_358] : memref<6256xi32, #tpu.memory_space<vmem>> -> memref<8xi32, #tpu.memory_space<vmem>>
        %dma_wait3A_360 = tpu.memref_slice %arg3[%multiple_of3A_350] : memref<200000xi32, #tpu.memory_space<hbm>> -> memref<8xi32, #tpu.memory_space<hbm>>
        %dma_wait3A_361 = arith.constant 6248 : i32
        %dma_wait3A_362 = tpu.memref_slice %arg5[%dma_wait3A_361] : memref<6256xi32, #tpu.memory_space<vmem>> -> memref<8xi32, #tpu.memory_space<vmem>>
        %dma_wait3A_363 = tpu.memref_slice %arg3[%multiple_of3A_350] : memref<200000xi32, #tpu.memory_space<hbm>> -> memref<8xi32, #tpu.memory_space<hbm>>
        tpu.wait_dma2 semaphore(%run_scoped3A_351 : memref<!tpu.dma_semaphore, #tpu.memory_space<semaphore_mem>>) src(%dma_wait3A_363 : memref<8xi32, #tpu.memory_space<hbm>>) dst(%dma_wait3A_362 : memref<8xi32, #tpu.memory_space<vmem>>)
        tpu.yield
      }) : () -> ()
    } else {
    }
    %sub3A_54 = arith.constant 128 : i32
    %sub3A_55 = arith.subi %sub3A_51, %sub3A_54 : i32
    %min3A = arith.constant 0 : i32
    %min3A_56 = arith.minsi %min3A, %sub3A_55 : i32
    %multiple_of3A_57 = tpu.assume_multiple %min3A_56, 8 : i32
    %dma_start3A = arith.constant 0 : i32
    %dma_start3A_58 = arith.constant 0 : i32
    %dma_start3A_59 = arith.constant 0 : i32
    %dma_start3A_60 = arith.constant 0 : i32
    %dma_start3A_61 = tpu.memref_slice %arg6[%dma_start3A, %dma_start3A_59, %dma_start3A_60] : memref<7x128x128xf32, #tpu.memory_space<vmem>> -> memref<1x128x128xf32, #tpu.memory_space<vmem>>
    %dma_start3A_62 = tpu.memref_squeeze %dma_start3A_61 : memref<1x128x128xf32, #tpu.memory_space<vmem>> -> memref<128x128xf32, #tpu.memory_space<vmem>>
    %dma_start3A_63 = tpu.memref_slice %arg5[%multiple_of3A_57] : memref<6256xi32, #tpu.memory_space<vmem>> -> memref<128xi32, #tpu.memory_space<vmem>>
    %dma_start3A_64 = arith.constant 0 : i32
    %dma_start3A_65 = arith.constant 0 : i32
    %dma_start3A_66 = tpu.memref_slice %arg2[%dma_start3A_64, %dma_start3A_65] : memref<50000x128xf32, #tpu.memory_space<hbm>> -> memref<50000x128xf32, #tpu.memory_space<hbm>>
    %dma_start3A_67 = tpu.memref_slice %arg7[%dma_start3A_58] : memref<7x!tpu.dma_semaphore, #tpu.memory_space<semaphore_mem>> -> memref<1x!tpu.dma_semaphore, #tpu.memory_space<semaphore_mem>>
    %dma_start3A_68 = tpu.memref_squeeze %dma_start3A_67 : memref<1x!tpu.dma_semaphore, #tpu.memory_space<semaphore_mem>> -> memref<!tpu.dma_semaphore, #tpu.memory_space<semaphore_mem>>
    tpu.enqueue_indirect_dma source(%dma_start3A_66 : memref<50000x128xf32, #tpu.memory_space<hbm>>) target(%dma_start3A_62 : memref<128x128xf32, #tpu.memory_space<vmem>>) offsets(%dma_start3A_63 : memref<128xi32, #tpu.memory_space<vmem>>) semaphore(%dma_start3A_68 : memref<!tpu.dma_semaphore, #tpu.memory_space<semaphore_mem>>)
    %sub3A_69 = arith.constant 128 : i32
    %sub3A_70 = arith.subi %sub3A_51, %sub3A_69 : i32
    %min3A_71 = arith.constant 128 : i32
    %min3A_72 = arith.minsi %min3A_71, %sub3A_70 : i32
    %multiple_of3A_73 = tpu.assume_multiple %min3A_72, 8 : i32
    %dma_start3A_74 = arith.constant 1 : i32
    %dma_start3A_75 = arith.constant 1 : i32
    %dma_start3A_76 = arith.constant 0 : i32
    %dma_start3A_77 = arith.constant 0 : i32
    %dma_start3A_78 = tpu.memref_slice %arg6[%dma_start3A_74, %dma_start3A_76, %dma_start3A_77] : memref<7x128x128xf32, #tpu.memory_space<vmem>> -> memref<1x128x128xf32, #tpu.memory_space<vmem>>
    %dma_start3A_79 = tpu.memref_squeeze %dma_start3A_78 : memref<1x128x128xf32, #tpu.memory_space<vmem>> -> memref<128x128xf32, #tpu.memory_space<vmem>>
    %dma_start3A_80 = tpu.memref_slice %arg5[%multiple_of3A_73] : memref<6256xi32, #tpu.memory_space<vmem>> -> memref<128xi32, #tpu.memory_space<vmem>>
    %dma_start3A_81 = arith.constant 0 : i32
    %dma_start3A_82 = arith.constant 0 : i32
    %dma_start3A_83 = tpu.memref_slice %arg2[%dma_start3A_81, %dma_start3A_82] : memref<50000x128xf32, #tpu.memory_space<hbm>> -> memref<50000x128xf32, #tpu.memory_space<hbm>>
    %dma_start3A_84 = tpu.memref_slice %arg7[%dma_start3A_75] : memref<7x!tpu.dma_semaphore, #tpu.memory_space<semaphore_mem>> -> memref<1x!tpu.dma_semaphore, #tpu.memory_space<semaphore_mem>>
    %dma_start3A_85 = tpu.memref_squeeze %dma_start3A_84 : memref<1x!tpu.dma_semaphore, #tpu.memory_space<semaphore_mem>> -> memref<!tpu.dma_semaphore, #tpu.memory_space<semaphore_mem>>
    tpu.enqueue_indirect_dma source(%dma_start3A_83 : memref<50000x128xf32, #tpu.memory_space<hbm>>) target(%dma_start3A_79 : memref<128x128xf32, #tpu.memory_space<vmem>>) offsets(%dma_start3A_80 : memref<128xi32, #tpu.memory_space<vmem>>) semaphore(%dma_start3A_85 : memref<!tpu.dma_semaphore, #tpu.memory_space<semaphore_mem>>)
    %sub3A_86 = arith.constant 128 : i32
    %sub3A_87 = arith.subi %sub3A_51, %sub3A_86 : i32
    %min3A_88 = arith.constant 256 : i32
    %min3A_89 = arith.minsi %min3A_88, %sub3A_87 : i32
    %multiple_of3A_90 = tpu.assume_multiple %min3A_89, 8 : i32
    %dma_start3A_91 = arith.constant 2 : i32
    %dma_start3A_92 = arith.constant 2 : i32
    %dma_start3A_93 = arith.constant 0 : i32
    %dma_start3A_94 = arith.constant 0 : i32
    %dma_start3A_95 = tpu.memref_slice %arg6[%dma_start3A_91, %dma_start3A_93, %dma_start3A_94] : memref<7x128x128xf32, #tpu.memory_space<vmem>> -> memref<1x128x128xf32, #tpu.memory_space<vmem>>
    %dma_start3A_96 = tpu.memref_squeeze %dma_start3A_95 : memref<1x128x128xf32, #tpu.memory_space<vmem>> -> memref<128x128xf32, #tpu.memory_space<vmem>>
    %dma_start3A_97 = tpu.memref_slice %arg5[%multiple_of3A_90] : memref<6256xi32, #tpu.memory_space<vmem>> -> memref<128xi32, #tpu.memory_space<vmem>>
    %dma_start3A_98 = arith.constant 0 : i32
    %dma_start3A_99 = arith.constant 0 : i32
    %dma_start3A_100 = tpu.memref_slice %arg2[%dma_start3A_98, %dma_start3A_99] : memref<50000x128xf32, #tpu.memory_space<hbm>> -> memref<50000x128xf32, #tpu.memory_space<hbm>>
    %dma_start3A_101 = tpu.memref_slice %arg7[%dma_start3A_92] : memref<7x!tpu.dma_semaphore, #tpu.memory_space<semaphore_mem>> -> memref<1x!tpu.dma_semaphore, #tpu.memory_space<semaphore_mem>>
    %dma_start3A_102 = tpu.memref_squeeze %dma_start3A_101 : memref<1x!tpu.dma_semaphore, #tpu.memory_space<semaphore_mem>> -> memref<!tpu.dma_semaphore, #tpu.memory_space<semaphore_mem>>
    tpu.enqueue_indirect_dma source(%dma_start3A_100 : memref<50000x128xf32, #tpu.memory_space<hbm>>) target(%dma_start3A_96 : memref<128x128xf32, #tpu.memory_space<vmem>>) offsets(%dma_start3A_97 : memref<128xi32, #tpu.memory_space<vmem>>) semaphore(%dma_start3A_102 : memref<!tpu.dma_semaphore, #tpu.memory_space<semaphore_mem>>)
    %sub3A_103 = arith.constant 128 : i32
    %sub3A_104 = arith.subi %sub3A_51, %sub3A_103 : i32
    %min3A_105 = arith.constant 384 : i32
    %min3A_106 = arith.minsi %min3A_105, %sub3A_104 : i32
    %multiple_of3A_107 = tpu.assume_multiple %min3A_106, 8 : i32
    %dma_start3A_108 = arith.constant 3 : i32
    %dma_start3A_109 = arith.constant 3 : i32
    %dma_start3A_110 = arith.constant 0 : i32
    %dma_start3A_111 = arith.constant 0 : i32
    %dma_start3A_112 = tpu.memref_slice %arg6[%dma_start3A_108, %dma_start3A_110, %dma_start3A_111] : memref<7x128x128xf32, #tpu.memory_space<vmem>> -> memref<1x128x128xf32, #tpu.memory_space<vmem>>
    %dma_start3A_113 = tpu.memref_squeeze %dma_start3A_112 : memref<1x128x128xf32, #tpu.memory_space<vmem>> -> memref<128x128xf32, #tpu.memory_space<vmem>>
    %dma_start3A_114 = tpu.memref_slice %arg5[%multiple_of3A_107] : memref<6256xi32, #tpu.memory_space<vmem>> -> memref<128xi32, #tpu.memory_space<vmem>>
    %dma_start3A_115 = arith.constant 0 : i32
    %dma_start3A_116 = arith.constant 0 : i32
    %dma_start3A_117 = tpu.memref_slice %arg2[%dma_start3A_115, %dma_start3A_116] : memref<50000x128xf32, #tpu.memory_space<hbm>> -> memref<50000x128xf32, #tpu.memory_space<hbm>>
    %dma_start3A_118 = tpu.memref_slice %arg7[%dma_start3A_109] : memref<7x!tpu.dma_semaphore, #tpu.memory_space<semaphore_mem>> -> memref<1x!tpu.dma_semaphore, #tpu.memory_space<semaphore_mem>>
    %dma_start3A_119 = tpu.memref_squeeze %dma_start3A_118 : memref<1x!tpu.dma_semaphore, #tpu.memory_space<semaphore_mem>> -> memref<!tpu.dma_semaphore, #tpu.memory_space<semaphore_mem>>
    tpu.enqueue_indirect_dma source(%dma_start3A_117 : memref<50000x128xf32, #tpu.memory_space<hbm>>) target(%dma_start3A_113 : memref<128x128xf32, #tpu.memory_space<vmem>>) offsets(%dma_start3A_114 : memref<128xi32, #tpu.memory_space<vmem>>) semaphore(%dma_start3A_119 : memref<!tpu.dma_semaphore, #tpu.memory_space<semaphore_mem>>)
    %sub3A_120 = arith.constant 128 : i32
    %sub3A_121 = arith.subi %sub3A_51, %sub3A_120 : i32
    %min3A_122 = arith.constant 512 : i32
    %min3A_123 = arith.minsi %min3A_122, %sub3A_121 : i32
    %multiple_of3A_124 = tpu.assume_multiple %min3A_123, 8 : i32
    %dma_start3A_125 = arith.constant 4 : i32
    %dma_start3A_126 = arith.constant 4 : i32
    %dma_start3A_127 = arith.constant 0 : i32
    %dma_start3A_128 = arith.constant 0 : i32
    %dma_start3A_129 = tpu.memref_slice %arg6[%dma_start3A_125, %dma_start3A_127, %dma_start3A_128] : memref<7x128x128xf32, #tpu.memory_space<vmem>> -> memref<1x128x128xf32, #tpu.memory_space<vmem>>
    %dma_start3A_130 = tpu.memref_squeeze %dma_start3A_129 : memref<1x128x128xf32, #tpu.memory_space<vmem>> -> memref<128x128xf32, #tpu.memory_space<vmem>>
    %dma_start3A_131 = tpu.memref_slice %arg5[%multiple_of3A_124] : memref<6256xi32, #tpu.memory_space<vmem>> -> memref<128xi32, #tpu.memory_space<vmem>>
    %dma_start3A_132 = arith.constant 0 : i32
    %dma_start3A_133 = arith.constant 0 : i32
    %dma_start3A_134 = tpu.memref_slice %arg2[%dma_start3A_132, %dma_start3A_133] : memref<50000x128xf32, #tpu.memory_space<hbm>> -> memref<50000x128xf32, #tpu.memory_space<hbm>>
    %dma_start3A_135 = tpu.memref_slice %arg7[%dma_start3A_126] : memref<7x!tpu.dma_semaphore, #tpu.memory_space<semaphore_mem>> -> memref<1x!tpu.dma_semaphore, #tpu.memory_space<semaphore_mem>>
    %dma_start3A_136 = tpu.memref_squeeze %dma_start3A_135 : memref<1x!tpu.dma_semaphore, #tpu.memory_space<semaphore_mem>> -> memref<!tpu.dma_semaphore, #tpu.memory_space<semaphore_mem>>
    tpu.enqueue_indirect_dma source(%dma_start3A_134 : memref<50000x128xf32, #tpu.memory_space<hbm>>) target(%dma_start3A_130 : memref<128x128xf32, #tpu.memory_space<vmem>>) offsets(%dma_start3A_131 : memref<128xi32, #tpu.memory_space<vmem>>) semaphore(%dma_start3A_136 : memref<!tpu.dma_semaphore, #tpu.memory_space<semaphore_mem>>)
    %sub3A_137 = arith.constant 128 : i32
    %sub3A_138 = arith.subi %sub3A_51, %sub3A_137 : i32
    %min3A_139 = arith.constant 640 : i32
    %min3A_140 = arith.minsi %min3A_139, %sub3A_138 : i32
    %multiple_of3A_141 = tpu.assume_multiple %min3A_140, 8 : i32
    %dma_start3A_142 = arith.constant 5 : i32
    %dma_start3A_143 = arith.constant 5 : i32
    %dma_start3A_144 = arith.constant 0 : i32
    %dma_start3A_145 = arith.constant 0 : i32
    %dma_start3A_146 = tpu.memref_slice %arg6[%dma_start3A_142, %dma_start3A_144, %dma_start3A_145] : memref<7x128x128xf32, #tpu.memory_space<vmem>> -> memref<1x128x128xf32, #tpu.memory_space<vmem>>
    %dma_start3A_147 = tpu.memref_squeeze %dma_start3A_146 : memref<1x128x128xf32, #tpu.memory_space<vmem>> -> memref<128x128xf32, #tpu.memory_space<vmem>>
    %dma_start3A_148 = tpu.memref_slice %arg5[%multiple_of3A_141] : memref<6256xi32, #tpu.memory_space<vmem>> -> memref<128xi32, #tpu.memory_space<vmem>>
    %dma_start3A_149 = arith.constant 0 : i32
    %dma_start3A_150 = arith.constant 0 : i32
    %dma_start3A_151 = tpu.memref_slice %arg2[%dma_start3A_149, %dma_start3A_150] : memref<50000x128xf32, #tpu.memory_space<hbm>> -> memref<50000x128xf32, #tpu.memory_space<hbm>>
    %dma_start3A_152 = tpu.memref_slice %arg7[%dma_start3A_143] : memref<7x!tpu.dma_semaphore, #tpu.memory_space<semaphore_mem>> -> memref<1x!tpu.dma_semaphore, #tpu.memory_space<semaphore_mem>>
    %dma_start3A_153 = tpu.memref_squeeze %dma_start3A_152 : memref<1x!tpu.dma_semaphore, #tpu.memory_space<semaphore_mem>> -> memref<!tpu.dma_semaphore, #tpu.memory_space<semaphore_mem>>
    tpu.enqueue_indirect_dma source(%dma_start3A_151 : memref<50000x128xf32, #tpu.memory_space<hbm>>) target(%dma_start3A_147 : memref<128x128xf32, #tpu.memory_space<vmem>>) offsets(%dma_start3A_148 : memref<128xi32, #tpu.memory_space<vmem>>) semaphore(%dma_start3A_153 : memref<!tpu.dma_semaphore, #tpu.memory_space<semaphore_mem>>)
    %sub3A_154 = arith.constant 128 : i32
    %sub3A_155 = arith.subi %sub3A_51, %sub3A_154 : i32
    %min3A_156 = arith.constant 768 : i32
    %min3A_157 = arith.minsi %min3A_156, %sub3A_155 : i32
    %multiple_of3A_158 = tpu.assume_multiple %min3A_157, 8 : i32
    %dma_start3A_159 = arith.constant 6 : i32
    %dma_start3A_160 = arith.constant 6 : i32
    %dma_start3A_161 = arith.constant 0 : i32
    %dma_start3A_162 = arith.constant 0 : i32
    %dma_start3A_163 = tpu.memref_slice %arg6[%dma_start3A_159, %dma_start3A_161, %dma_start3A_162] : memref<7x128x128xf32, #tpu.memory_space<vmem>> -> memref<1x128x128xf32, #tpu.memory_space<vmem>>
    %dma_start3A_164 = tpu.memref_squeeze %dma_start3A_163 : memref<1x128x128xf32, #tpu.memory_space<vmem>> -> memref<128x128xf32, #tpu.memory_space<vmem>>
    %dma_start3A_165 = tpu.memref_slice %arg5[%multiple_of3A_158] : memref<6256xi32, #tpu.memory_space<vmem>> -> memref<128xi32, #tpu.memory_space<vmem>>
    %dma_start3A_166 = arith.constant 0 : i32
    %dma_start3A_167 = arith.constant 0 : i32
    %dma_start3A_168 = tpu.memref_slice %arg2[%dma_start3A_166, %dma_start3A_167] : memref<50000x128xf32, #tpu.memory_space<hbm>> -> memref<50000x128xf32, #tpu.memory_space<hbm>>
    %dma_start3A_169 = tpu.memref_slice %arg7[%dma_start3A_160] : memref<7x!tpu.dma_semaphore, #tpu.memory_space<semaphore_mem>> -> memref<1x!tpu.dma_semaphore, #tpu.memory_space<semaphore_mem>>
    %dma_start3A_170 = tpu.memref_squeeze %dma_start3A_169 : memref<1x!tpu.dma_semaphore, #tpu.memory_space<semaphore_mem>> -> memref<!tpu.dma_semaphore, #tpu.memory_space<semaphore_mem>>
    tpu.enqueue_indirect_dma source(%dma_start3A_168 : memref<50000x128xf32, #tpu.memory_space<hbm>>) target(%dma_start3A_164 : memref<128x128xf32, #tpu.memory_space<vmem>>) offsets(%dma_start3A_165 : memref<128xi32, #tpu.memory_space<vmem>>) semaphore(%dma_start3A_170 : memref<!tpu.dma_semaphore, #tpu.memory_space<semaphore_mem>>)
    %scan3A = arith.constant 0 : i32
    %scan3A_171 = arith.constant 6 : i32
    %scan3A_172 = arith.addi %scan3A, %scan3A_171 : i32
    %scan3A_173 = arith.constant 1 : i32
    scf.for %scan3A_348 = %scan3A to %scan3A_172 step %scan3A_173  : i32 {
      %mul3A_349 = arith.constant 7 : i32
      %mul3A_350 = arith.muli %scan3A_348, %mul3A_349 : i32
      %add3A_351 = arith.constant 0 : i32
      %add3A_352 = arith.addi %add3A_351, %mul3A_350 : i32
      %add3A_353 = arith.constant 0 : i32
      %add3A_354 = arith.addi %add3A_352, %add3A_353 : i32
      %mul3A_355 = arith.constant 128 : i32
      %mul3A_356 = arith.muli %add3A_354, %mul3A_355 : i32
      %sub3A_357 = arith.constant 128 : i32
      %sub3A_358 = arith.subi %sub3A_51, %sub3A_357 : i32
      %min3A_359 = arith.minsi %mul3A_356, %sub3A_358 : i32
      %multiple_of3A_360 = tpu.assume_multiple %min3A_359, 8 : i32
      %dma_wait3A_361 = arith.constant 0 : i32
      %dma_wait3A_362 = arith.constant 0 : i32
      %dma_wait3A_363 = arith.constant 0 : i32
      %dma_wait3A_364 = arith.constant 0 : i32
      %dma_wait3A_365 = tpu.memref_slice %arg6[%dma_wait3A_361, %dma_wait3A_363, %dma_wait3A_364] : memref<7x128x128xf32, #tpu.memory_space<vmem>> -> memref<1x128x128xf32, #tpu.memory_space<vmem>>
      %dma_wait3A_366 = tpu.memref_squeeze %dma_wait3A_365 : memref<1x128x128xf32, #tpu.memory_space<vmem>> -> memref<128x128xf32, #tpu.memory_space<vmem>>
      %dma_wait3A_367 = tpu.memref_slice %arg5[%multiple_of3A_360] : memref<6256xi32, #tpu.memory_space<vmem>> -> memref<128xi32, #tpu.memory_space<vmem>>
      %dma_wait3A_368 = arith.constant 0 : i32
      %dma_wait3A_369 = arith.constant 0 : i32
      %dma_wait3A_370 = tpu.memref_slice %arg2[%dma_wait3A_368, %dma_wait3A_369] : memref<50000x128xf32, #tpu.memory_space<hbm>> -> memref<50000x128xf32, #tpu.memory_space<hbm>>
      %dma_wait3A_371 = tpu.memref_slice %arg7[%dma_wait3A_362] : memref<7x!tpu.dma_semaphore, #tpu.memory_space<semaphore_mem>> -> memref<1x!tpu.dma_semaphore, #tpu.memory_space<semaphore_mem>>
      %dma_wait3A_372 = tpu.memref_squeeze %dma_wait3A_371 : memref<1x!tpu.dma_semaphore, #tpu.memory_space<semaphore_mem>> -> memref<!tpu.dma_semaphore, #tpu.memory_space<semaphore_mem>>
      tpu.wait_indirect_dma semaphore(%dma_wait3A_372 : memref<!tpu.dma_semaphore, #tpu.memory_space<semaphore_mem>>) src(%dma_wait3A_370 : memref<50000x128xf32, #tpu.memory_space<hbm>>) dst(%dma_wait3A_366 : memref<128x128xf32, #tpu.memory_space<vmem>>)
      %mul3A_373 = arith.constant 128 : i32
      %mul3A_374 = arith.muli %add3A_354, %mul3A_373 : i32
      %sub3A_375 = arith.constant 128 : i32
      %sub3A_376 = arith.subi %sub3A_51, %sub3A_375 : i32
      %min3A_377 = arith.minsi %mul3A_374, %sub3A_376 : i32
      %multiple_of3A_378 = tpu.assume_multiple %min3A_377, 8 : i32
      %add3A_379 = arith.addi %mul3A_20, %multiple_of3A_378 : i32
      %multiple_of3A_380 = tpu.assume_multiple %add3A_379, 8 : i32
      %run_scoped3A_381 = arith.constant 0 : i32
      "tpu.region"() ({
        %run_scoped3A_710 = tpu.sem_alloc : memref<!tpu.dma_semaphore, #tpu.memory_space<semaphore_mem>>
        %dma_start3A_711 = arith.constant 0 : i32
        %dma_start3A_712 = arith.constant 0 : i32
        %dma_start3A_713 = tpu.memref_slice %arg6[%run_scoped3A_381, %dma_start3A_711, %dma_start3A_712] : memref<7x128x128xf32, #tpu.memory_space<vmem>> -> memref<1x128x128xf32, #tpu.memory_space<vmem>>
        %dma_start3A_714 = tpu.memref_squeeze %dma_start3A_713 : memref<1x128x128xf32, #tpu.memory_space<vmem>> -> memref<128x128xf32, #tpu.memory_space<vmem>>
        %dma_start3A_715 = arith.constant 0 : i32
        %dma_start3A_716 = tpu.memref_slice %arg4[%multiple_of3A_380, %dma_start3A_715] : memref<200000x128xf32, #tpu.memory_space<hbm>> -> memref<128x128xf32, #tpu.memory_space<hbm>>
        %dma_start3A_717 = arith.constant 0 : i32
        %dma_start3A_718 = tpu.memref_slice %arg4[%multiple_of3A_380, %dma_start3A_717] : memref<200000x128xf32, #tpu.memory_space<hbm>> -> memref<128x128xf32, #tpu.memory_space<hbm>>
        %dma_start3A_719 = arith.constant 0 : i32
        %dma_start3A_720 = arith.constant 0 : i32
        %dma_start3A_721 = tpu.memref_slice %arg6[%run_scoped3A_381, %dma_start3A_719, %dma_start3A_720] : memref<7x128x128xf32, #tpu.memory_space<vmem>> -> memref<1x128x128xf32, #tpu.memory_space<vmem>>
        %dma_start3A_722 = tpu.memref_squeeze %dma_start3A_721 : memref<1x128x128xf32, #tpu.memory_space<vmem>> -> memref<128x128xf32, #tpu.memory_space<vmem>>
        tpu.enqueue_dma source(%dma_start3A_722 : memref<128x128xf32, #tpu.memory_space<vmem>>) target(%dma_start3A_718 : memref<128x128xf32, #tpu.memory_space<hbm>>) target_semaphore(%run_scoped3A_710 : memref<!tpu.dma_semaphore, #tpu.memory_space<semaphore_mem>>)
        %dma_wait3A_723 = arith.constant 0 : i32
        %dma_wait3A_724 = arith.constant 0 : i32
        %dma_wait3A_725 = tpu.memref_slice %arg6[%run_scoped3A_381, %dma_wait3A_723, %dma_wait3A_724] : memref<7x128x128xf32, #tpu.memory_space<vmem>> -> memref<1x128x128xf32, #tpu.memory_space<vmem>>
        %dma_wait3A_726 = tpu.memref_squeeze %dma_wait3A_725 : memref<1x128x128xf32, #tpu.memory_space<vmem>> -> memref<128x128xf32, #tpu.memory_space<vmem>>
        %dma_wait3A_727 = arith.constant 0 : i32
        %dma_wait3A_728 = tpu.memref_slice %arg4[%multiple_of3A_380, %dma_wait3A_727] : memref<200000x128xf32, #tpu.memory_space<hbm>> -> memref<128x128xf32, #tpu.memory_space<hbm>>
        %dma_wait3A_729 = arith.constant 0 : i32
        %dma_wait3A_730 = tpu.memref_slice %arg4[%multiple_of3A_380, %dma_wait3A_729] : memref<200000x128xf32, #tpu.memory_space<hbm>> -> memref<128x128xf32, #tpu.memory_space<hbm>>
        %dma_wait3A_731 = arith.constant 0 : i32
        %dma_wait3A_732 = arith.constant 0 : i32
        %dma_wait3A_733 = tpu.memref_slice %arg6[%run_scoped3A_381, %dma_wait3A_731, %dma_wait3A_732] : memref<7x128x128xf32, #tpu.memory_space<vmem>> -> memref<1x128x128xf32, #tpu.memory_space<vmem>>
        %dma_wait3A_734 = tpu.memref_squeeze %dma_wait3A_733 : memref<1x128x128xf32, #tpu.memory_space<vmem>> -> memref<128x128xf32, #tpu.memory_space<vmem>>
        tpu.wait_dma2 semaphore(%run_scoped3A_710 : memref<!tpu.dma_semaphore, #tpu.memory_space<semaphore_mem>>) src(%dma_wait3A_734 : memref<128x128xf32, #tpu.memory_space<vmem>>) dst(%dma_wait3A_730 : memref<128x128xf32, #tpu.memory_space<hbm>>)
        tpu.yield
      }) : () -> ()
      %add3A_382 = arith.constant 0 : i32
      %add3A_383 = arith.addi %add3A_352, %add3A_382 : i32
      %add3A_384 = arith.constant 7 : i32
      %add3A_385 = arith.addi %add3A_383, %add3A_384 : i32
      %mul3A_386 = arith.constant 128 : i32
      %mul3A_387 = arith.muli %add3A_385, %mul3A_386 : i32
      %sub3A_388 = arith.constant 128 : i32
      %sub3A_389 = arith.subi %sub3A_51, %sub3A_388 : i32
      %min3A_390 = arith.minsi %mul3A_387, %sub3A_389 : i32
      %multiple_of3A_391 = tpu.assume_multiple %min3A_390, 8 : i32
      %dma_start3A_392 = arith.constant 0 : i32
      %dma_start3A_393 = arith.constant 0 : i32
      %dma_start3A_394 = arith.constant 0 : i32
      %dma_start3A_395 = arith.constant 0 : i32
      %dma_start3A_396 = tpu.memref_slice %arg6[%dma_start3A_392, %dma_start3A_394, %dma_start3A_395] : memref<7x128x128xf32, #tpu.memory_space<vmem>> -> memref<1x128x128xf32, #tpu.memory_space<vmem>>
      %dma_start3A_397 = tpu.memref_squeeze %dma_start3A_396 : memref<1x128x128xf32, #tpu.memory_space<vmem>> -> memref<128x128xf32, #tpu.memory_space<vmem>>
      %dma_start3A_398 = tpu.memref_slice %arg5[%multiple_of3A_391] : memref<6256xi32, #tpu.memory_space<vmem>> -> memref<128xi32, #tpu.memory_space<vmem>>
      %dma_start3A_399 = arith.constant 0 : i32
      %dma_start3A_400 = arith.constant 0 : i32
      %dma_start3A_401 = tpu.memref_slice %arg2[%dma_start3A_399, %dma_start3A_400] : memref<50000x128xf32, #tpu.memory_space<hbm>> -> memref<50000x128xf32, #tpu.memory_space<hbm>>
      %dma_start3A_402 = tpu.memref_slice %arg7[%dma_start3A_393] : memref<7x!tpu.dma_semaphore, #tpu.memory_space<semaphore_mem>> -> memref<1x!tpu.dma_semaphore, #tpu.memory_space<semaphore_mem>>
      %dma_start3A_403 = tpu.memref_squeeze %dma_start3A_402 : memref<1x!tpu.dma_semaphore, #tpu.memory_space<semaphore_mem>> -> memref<!tpu.dma_semaphore, #tpu.memory_space<semaphore_mem>>
      tpu.enqueue_indirect_dma source(%dma_start3A_401 : memref<50000x128xf32, #tpu.memory_space<hbm>>) target(%dma_start3A_397 : memref<128x128xf32, #tpu.memory_space<vmem>>) offsets(%dma_start3A_398 : memref<128xi32, #tpu.memory_space<vmem>>) semaphore(%dma_start3A_403 : memref<!tpu.dma_semaphore, #tpu.memory_space<semaphore_mem>>)
      %add3A_404 = arith.constant 1 : i32
      %add3A_405 = arith.addi %add3A_352, %add3A_404 : i32
      %mul3A_406 = arith.constant 128 : i32
      %mul3A_407 = arith.muli %add3A_405, %mul3A_406 : i32
      %sub3A_408 = arith.constant 128 : i32
      %sub3A_409 = arith.subi %sub3A_51, %sub3A_408 : i32
      %min3A_410 = arith.minsi %mul3A_407, %sub3A_409 : i32
      %multiple_of3A_411 = tpu.assume_multiple %min3A_410, 8 : i32
      %dma_wait3A_412 = arith.constant 1 : i32
      %dma_wait3A_413 = arith.constant 1 : i32
      %dma_wait3A_414 = arith.constant 0 : i32
      %dma_wait3A_415 = arith.constant 0 : i32
      %dma_wait3A_416 = tpu.memref_slice %arg6[%dma_wait3A_412, %dma_wait3A_414, %dma_wait3A_415] : memref<7x128x128xf32, #tpu.memory_space<vmem>> -> memref<1x128x128xf32, #tpu.memory_space<vmem>>
      %dma_wait3A_417 = tpu.memref_squeeze %dma_wait3A_416 : memref<1x128x128xf32, #tpu.memory_space<vmem>> -> memref<128x128xf32, #tpu.memory_space<vmem>>
      %dma_wait3A_418 = tpu.memref_slice %arg5[%multiple_of3A_411] : memref<6256xi32, #tpu.memory_space<vmem>> -> memref<128xi32, #tpu.memory_space<vmem>>
      %dma_wait3A_419 = arith.constant 0 : i32
      %dma_wait3A_420 = arith.constant 0 : i32
      %dma_wait3A_421 = tpu.memref_slice %arg2[%dma_wait3A_419, %dma_wait3A_420] : memref<50000x128xf32, #tpu.memory_space<hbm>> -> memref<50000x128xf32, #tpu.memory_space<hbm>>
      %dma_wait3A_422 = tpu.memref_slice %arg7[%dma_wait3A_413] : memref<7x!tpu.dma_semaphore, #tpu.memory_space<semaphore_mem>> -> memref<1x!tpu.dma_semaphore, #tpu.memory_space<semaphore_mem>>
      %dma_wait3A_423 = tpu.memref_squeeze %dma_wait3A_422 : memref<1x!tpu.dma_semaphore, #tpu.memory_space<semaphore_mem>> -> memref<!tpu.dma_semaphore, #tpu.memory_space<semaphore_mem>>
      tpu.wait_indirect_dma semaphore(%dma_wait3A_423 : memref<!tpu.dma_semaphore, #tpu.memory_space<semaphore_mem>>) src(%dma_wait3A_421 : memref<50000x128xf32, #tpu.memory_space<hbm>>) dst(%dma_wait3A_417 : memref<128x128xf32, #tpu.memory_space<vmem>>)
      %mul3A_424 = arith.constant 128 : i32
      %mul3A_425 = arith.muli %add3A_405, %mul3A_424 : i32
      %sub3A_426 = arith.constant 128 : i32
      %sub3A_427 = arith.subi %sub3A_51, %sub3A_426 : i32
      %min3A_428 = arith.minsi %mul3A_425, %sub3A_427 : i32
      %multiple_of3A_429 = tpu.assume_multiple %min3A_428, 8 : i32
      %add3A_430 = arith.addi %mul3A_20, %multiple_of3A_429 : i32
      %multiple_of3A_431 = tpu.assume_multiple %add3A_430, 8 : i32
      %run_scoped3A_432 = arith.constant 1 : i32
      "tpu.region"() ({
        %run_scoped3A_710 = tpu.sem_alloc : memref<!tpu.dma_semaphore, #tpu.memory_space<semaphore_mem>>
        %dma_start3A_711 = arith.constant 0 : i32
        %dma_start3A_712 = arith.constant 0 : i32
        %dma_start3A_713 = tpu.memref_slice %arg6[%run_scoped3A_432, %dma_start3A_711, %dma_start3A_712] : memref<7x128x128xf32, #tpu.memory_space<vmem>> -> memref<1x128x128xf32, #tpu.memory_space<vmem>>
        %dma_start3A_714 = tpu.memref_squeeze %dma_start3A_713 : memref<1x128x128xf32, #tpu.memory_space<vmem>> -> memref<128x128xf32, #tpu.memory_space<vmem>>
        %dma_start3A_715 = arith.constant 0 : i32
        %dma_start3A_716 = tpu.memref_slice %arg4[%multiple_of3A_431, %dma_start3A_715] : memref<200000x128xf32, #tpu.memory_space<hbm>> -> memref<128x128xf32, #tpu.memory_space<hbm>>
        %dma_start3A_717 = arith.constant 0 : i32
        %dma_start3A_718 = tpu.memref_slice %arg4[%multiple_of3A_431, %dma_start3A_717] : memref<200000x128xf32, #tpu.memory_space<hbm>> -> memref<128x128xf32, #tpu.memory_space<hbm>>
        %dma_start3A_719 = arith.constant 0 : i32
        %dma_start3A_720 = arith.constant 0 : i32
        %dma_start3A_721 = tpu.memref_slice %arg6[%run_scoped3A_432, %dma_start3A_719, %dma_start3A_720] : memref<7x128x128xf32, #tpu.memory_space<vmem>> -> memref<1x128x128xf32, #tpu.memory_space<vmem>>
        %dma_start3A_722 = tpu.memref_squeeze %dma_start3A_721 : memref<1x128x128xf32, #tpu.memory_space<vmem>> -> memref<128x128xf32, #tpu.memory_space<vmem>>
        tpu.enqueue_dma source(%dma_start3A_722 : memref<128x128xf32, #tpu.memory_space<vmem>>) target(%dma_start3A_718 : memref<128x128xf32, #tpu.memory_space<hbm>>) target_semaphore(%run_scoped3A_710 : memref<!tpu.dma_semaphore, #tpu.memory_space<semaphore_mem>>)
        %dma_wait3A_723 = arith.constant 0 : i32
        %dma_wait3A_724 = arith.constant 0 : i32
        %dma_wait3A_725 = tpu.memref_slice %arg6[%run_scoped3A_432, %dma_wait3A_723, %dma_wait3A_724] : memref<7x128x128xf32, #tpu.memory_space<vmem>> -> memref<1x128x128xf32, #tpu.memory_space<vmem>>
        %dma_wait3A_726 = tpu.memref_squeeze %dma_wait3A_725 : memref<1x128x128xf32, #tpu.memory_space<vmem>> -> memref<128x128xf32, #tpu.memory_space<vmem>>
        %dma_wait3A_727 = arith.constant 0 : i32
        %dma_wait3A_728 = tpu.memref_slice %arg4[%multiple_of3A_431, %dma_wait3A_727] : memref<200000x128xf32, #tpu.memory_space<hbm>> -> memref<128x128xf32, #tpu.memory_space<hbm>>
        %dma_wait3A_729 = arith.constant 0 : i32
        %dma_wait3A_730 = tpu.memref_slice %arg4[%multiple_of3A_431, %dma_wait3A_729] : memref<200000x128xf32, #tpu.memory_space<hbm>> -> memref<128x128xf32, #tpu.memory_space<hbm>>
        %dma_wait3A_731 = arith.constant 0 : i32
        %dma_wait3A_732 = arith.constant 0 : i32
        %dma_wait3A_733 = tpu.memref_slice %arg6[%run_scoped3A_432, %dma_wait3A_731, %dma_wait3A_732] : memref<7x128x128xf32, #tpu.memory_space<vmem>> -> memref<1x128x128xf32, #tpu.memory_space<vmem>>
        %dma_wait3A_734 = tpu.memref_squeeze %dma_wait3A_733 : memref<1x128x128xf32, #tpu.memory_space<vmem>> -> memref<128x128xf32, #tpu.memory_space<vmem>>
        tpu.wait_dma2 semaphore(%run_scoped3A_710 : memref<!tpu.dma_semaphore, #tpu.memory_space<semaphore_mem>>) src(%dma_wait3A_734 : memref<128x128xf32, #tpu.memory_space<vmem>>) dst(%dma_wait3A_730 : memref<128x128xf32, #tpu.memory_space<hbm>>)
        tpu.yield
      }) : () -> ()
      %add3A_433 = arith.constant 1 : i32
      %add3A_434 = arith.addi %add3A_352, %add3A_433 : i32
      %add3A_435 = arith.constant 7 : i32
      %add3A_436 = arith.addi %add3A_434, %add3A_435 : i32
      %mul3A_437 = arith.constant 128 : i32
      %mul3A_438 = arith.muli %add3A_436, %mul3A_437 : i32
      %sub3A_439 = arith.constant 128 : i32
      %sub3A_440 = arith.subi %sub3A_51, %sub3A_439 : i32
      %min3A_441 = arith.minsi %mul3A_438, %sub3A_440 : i32
      %multiple_of3A_442 = tpu.assume_multiple %min3A_441, 8 : i32
      %dma_start3A_443 = arith.constant 1 : i32
      %dma_start3A_444 = arith.constant 1 : i32
      %dma_start3A_445 = arith.constant 0 : i32
      %dma_start3A_446 = arith.constant 0 : i32
      %dma_start3A_447 = tpu.memref_slice %arg6[%dma_start3A_443, %dma_start3A_445, %dma_start3A_446] : memref<7x128x128xf32, #tpu.memory_space<vmem>> -> memref<1x128x128xf32, #tpu.memory_space<vmem>>
      %dma_start3A_448 = tpu.memref_squeeze %dma_start3A_447 : memref<1x128x128xf32, #tpu.memory_space<vmem>> -> memref<128x128xf32, #tpu.memory_space<vmem>>
      %dma_start3A_449 = tpu.memref_slice %arg5[%multiple_of3A_442] : memref<6256xi32, #tpu.memory_space<vmem>> -> memref<128xi32, #tpu.memory_space<vmem>>
      %dma_start3A_450 = arith.constant 0 : i32
      %dma_start3A_451 = arith.constant 0 : i32
      %dma_start3A_452 = tpu.memref_slice %arg2[%dma_start3A_450, %dma_start3A_451] : memref<50000x128xf32, #tpu.memory_space<hbm>> -> memref<50000x128xf32, #tpu.memory_space<hbm>>
      %dma_start3A_453 = tpu.memref_slice %arg7[%dma_start3A_444] : memref<7x!tpu.dma_semaphore, #tpu.memory_space<semaphore_mem>> -> memref<1x!tpu.dma_semaphore, #tpu.memory_space<semaphore_mem>>
      %dma_start3A_454 = tpu.memref_squeeze %dma_start3A_453 : memref<1x!tpu.dma_semaphore, #tpu.memory_space<semaphore_mem>> -> memref<!tpu.dma_semaphore, #tpu.memory_space<semaphore_mem>>
      tpu.enqueue_indirect_dma source(%dma_start3A_452 : memref<50000x128xf32, #tpu.memory_space<hbm>>) target(%dma_start3A_448 : memref<128x128xf32, #tpu.memory_space<vmem>>) offsets(%dma_start3A_449 : memref<128xi32, #tpu.memory_space<vmem>>) semaphore(%dma_start3A_454 : memref<!tpu.dma_semaphore, #tpu.memory_space<semaphore_mem>>)
      %add3A_455 = arith.constant 2 : i32
      %add3A_456 = arith.addi %add3A_352, %add3A_455 : i32
      %mul3A_457 = arith.constant 128 : i32
      %mul3A_458 = arith.muli %add3A_456, %mul3A_457 : i32
      %sub3A_459 = arith.constant 128 : i32
      %sub3A_460 = arith.subi %sub3A_51, %sub3A_459 : i32
      %min3A_461 = arith.minsi %mul3A_458, %sub3A_460 : i32
      %multiple_of3A_462 = tpu.assume_multiple %min3A_461, 8 : i32
      %dma_wait3A_463 = arith.constant 2 : i32
      %dma_wait3A_464 = arith.constant 2 : i32
      %dma_wait3A_465 = arith.constant 0 : i32
      %dma_wait3A_466 = arith.constant 0 : i32
      %dma_wait3A_467 = tpu.memref_slice %arg6[%dma_wait3A_463, %dma_wait3A_465, %dma_wait3A_466] : memref<7x128x128xf32, #tpu.memory_space<vmem>> -> memref<1x128x128xf32, #tpu.memory_space<vmem>>
      %dma_wait3A_468 = tpu.memref_squeeze %dma_wait3A_467 : memref<1x128x128xf32, #tpu.memory_space<vmem>> -> memref<128x128xf32, #tpu.memory_space<vmem>>
      %dma_wait3A_469 = tpu.memref_slice %arg5[%multiple_of3A_462] : memref<6256xi32, #tpu.memory_space<vmem>> -> memref<128xi32, #tpu.memory_space<vmem>>
      %dma_wait3A_470 = arith.constant 0 : i32
      %dma_wait3A_471 = arith.constant 0 : i32
      %dma_wait3A_472 = tpu.memref_slice %arg2[%dma_wait3A_470, %dma_wait3A_471] : memref<50000x128xf32, #tpu.memory_space<hbm>> -> memref<50000x128xf32, #tpu.memory_space<hbm>>
      %dma_wait3A_473 = tpu.memref_slice %arg7[%dma_wait3A_464] : memref<7x!tpu.dma_semaphore, #tpu.memory_space<semaphore_mem>> -> memref<1x!tpu.dma_semaphore, #tpu.memory_space<semaphore_mem>>
      %dma_wait3A_474 = tpu.memref_squeeze %dma_wait3A_473 : memref<1x!tpu.dma_semaphore, #tpu.memory_space<semaphore_mem>> -> memref<!tpu.dma_semaphore, #tpu.memory_space<semaphore_mem>>
      tpu.wait_indirect_dma semaphore(%dma_wait3A_474 : memref<!tpu.dma_semaphore, #tpu.memory_space<semaphore_mem>>) src(%dma_wait3A_472 : memref<50000x128xf32, #tpu.memory_space<hbm>>) dst(%dma_wait3A_468 : memref<128x128xf32, #tpu.memory_space<vmem>>)
      %mul3A_475 = arith.constant 128 : i32
      %mul3A_476 = arith.muli %add3A_456, %mul3A_475 : i32
      %sub3A_477 = arith.constant 128 : i32
      %sub3A_478 = arith.subi %sub3A_51, %sub3A_477 : i32
      %min3A_479 = arith.minsi %mul3A_476, %sub3A_478 : i32
      %multiple_of3A_480 = tpu.assume_multiple %min3A_479, 8 : i32
      %add3A_481 = arith.addi %mul3A_20, %multiple_of3A_480 : i32
      %multiple_of3A_482 = tpu.assume_multiple %add3A_481, 8 : i32
      %run_scoped3A_483 = arith.constant 2 : i32
      "tpu.region"() ({
        %run_scoped3A_710 = tpu.sem_alloc : memref<!tpu.dma_semaphore, #tpu.memory_space<semaphore_mem>>
        %dma_start3A_711 = arith.constant 0 : i32
        %dma_start3A_712 = arith.constant 0 : i32
        %dma_start3A_713 = tpu.memref_slice %arg6[%run_scoped3A_483, %dma_start3A_711, %dma_start3A_712] : memref<7x128x128xf32, #tpu.memory_space<vmem>> -> memref<1x128x128xf32, #tpu.memory_space<vmem>>
        %dma_start3A_714 = tpu.memref_squeeze %dma_start3A_713 : memref<1x128x128xf32, #tpu.memory_space<vmem>> -> memref<128x128xf32, #tpu.memory_space<vmem>>
        %dma_start3A_715 = arith.constant 0 : i32
        %dma_start3A_716 = tpu.memref_slice %arg4[%multiple_of3A_482, %dma_start3A_715] : memref<200000x128xf32, #tpu.memory_space<hbm>> -> memref<128x128xf32, #tpu.memory_space<hbm>>
        %dma_start3A_717 = arith.constant 0 : i32
        %dma_start3A_718 = tpu.memref_slice %arg4[%multiple_of3A_482, %dma_start3A_717] : memref<200000x128xf32, #tpu.memory_space<hbm>> -> memref<128x128xf32, #tpu.memory_space<hbm>>
        %dma_start3A_719 = arith.constant 0 : i32
        %dma_start3A_720 = arith.constant 0 : i32
        %dma_start3A_721 = tpu.memref_slice %arg6[%run_scoped3A_483, %dma_start3A_719, %dma_start3A_720] : memref<7x128x128xf32, #tpu.memory_space<vmem>> -> memref<1x128x128xf32, #tpu.memory_space<vmem>>
        %dma_start3A_722 = tpu.memref_squeeze %dma_start3A_721 : memref<1x128x128xf32, #tpu.memory_space<vmem>> -> memref<128x128xf32, #tpu.memory_space<vmem>>
        tpu.enqueue_dma source(%dma_start3A_722 : memref<128x128xf32, #tpu.memory_space<vmem>>) target(%dma_start3A_718 : memref<128x128xf32, #tpu.memory_space<hbm>>) target_semaphore(%run_scoped3A_710 : memref<!tpu.dma_semaphore, #tpu.memory_space<semaphore_mem>>)
        %dma_wait3A_723 = arith.constant 0 : i32
        %dma_wait3A_724 = arith.constant 0 : i32
        %dma_wait3A_725 = tpu.memref_slice %arg6[%run_scoped3A_483, %dma_wait3A_723, %dma_wait3A_724] : memref<7x128x128xf32, #tpu.memory_space<vmem>> -> memref<1x128x128xf32, #tpu.memory_space<vmem>>
        %dma_wait3A_726 = tpu.memref_squeeze %dma_wait3A_725 : memref<1x128x128xf32, #tpu.memory_space<vmem>> -> memref<128x128xf32, #tpu.memory_space<vmem>>
        %dma_wait3A_727 = arith.constant 0 : i32
        %dma_wait3A_728 = tpu.memref_slice %arg4[%multiple_of3A_482, %dma_wait3A_727] : memref<200000x128xf32, #tpu.memory_space<hbm>> -> memref<128x128xf32, #tpu.memory_space<hbm>>
        %dma_wait3A_729 = arith.constant 0 : i32
        %dma_wait3A_730 = tpu.memref_slice %arg4[%multiple_of3A_482, %dma_wait3A_729] : memref<200000x128xf32, #tpu.memory_space<hbm>> -> memref<128x128xf32, #tpu.memory_space<hbm>>
        %dma_wait3A_731 = arith.constant 0 : i32
        %dma_wait3A_732 = arith.constant 0 : i32
        %dma_wait3A_733 = tpu.memref_slice %arg6[%run_scoped3A_483, %dma_wait3A_731, %dma_wait3A_732] : memref<7x128x128xf32, #tpu.memory_space<vmem>> -> memref<1x128x128xf32, #tpu.memory_space<vmem>>
        %dma_wait3A_734 = tpu.memref_squeeze %dma_wait3A_733 : memref<1x128x128xf32, #tpu.memory_space<vmem>> -> memref<128x128xf32, #tpu.memory_space<vmem>>
        tpu.wait_dma2 semaphore(%run_scoped3A_710 : memref<!tpu.dma_semaphore, #tpu.memory_space<semaphore_mem>>) src(%dma_wait3A_734 : memref<128x128xf32, #tpu.memory_space<vmem>>) dst(%dma_wait3A_730 : memref<128x128xf32, #tpu.memory_space<hbm>>)
        tpu.yield
      }) : () -> ()
      %add3A_484 = arith.constant 2 : i32
      %add3A_485 = arith.addi %add3A_352, %add3A_484 : i32
      %add3A_486 = arith.constant 7 : i32
      %add3A_487 = arith.addi %add3A_485, %add3A_486 : i32
      %mul3A_488 = arith.constant 128 : i32
      %mul3A_489 = arith.muli %add3A_487, %mul3A_488 : i32
      %sub3A_490 = arith.constant 128 : i32
      %sub3A_491 = arith.subi %sub3A_51, %sub3A_490 : i32
      %min3A_492 = arith.minsi %mul3A_489, %sub3A_491 : i32
      %multiple_of3A_493 = tpu.assume_multiple %min3A_492, 8 : i32
      %dma_start3A_494 = arith.constant 2 : i32
      %dma_start3A_495 = arith.constant 2 : i32
      %dma_start3A_496 = arith.constant 0 : i32
      %dma_start3A_497 = arith.constant 0 : i32
      %dma_start3A_498 = tpu.memref_slice %arg6[%dma_start3A_494, %dma_start3A_496, %dma_start3A_497] : memref<7x128x128xf32, #tpu.memory_space<vmem>> -> memref<1x128x128xf32, #tpu.memory_space<vmem>>
      %dma_start3A_499 = tpu.memref_squeeze %dma_start3A_498 : memref<1x128x128xf32, #tpu.memory_space<vmem>> -> memref<128x128xf32, #tpu.memory_space<vmem>>
      %dma_start3A_500 = tpu.memref_slice %arg5[%multiple_of3A_493] : memref<6256xi32, #tpu.memory_space<vmem>> -> memref<128xi32, #tpu.memory_space<vmem>>
      %dma_start3A_501 = arith.constant 0 : i32
      %dma_start3A_502 = arith.constant 0 : i32
      %dma_start3A_503 = tpu.memref_slice %arg2[%dma_start3A_501, %dma_start3A_502] : memref<50000x128xf32, #tpu.memory_space<hbm>> -> memref<50000x128xf32, #tpu.memory_space<hbm>>
      %dma_start3A_504 = tpu.memref_slice %arg7[%dma_start3A_495] : memref<7x!tpu.dma_semaphore, #tpu.memory_space<semaphore_mem>> -> memref<1x!tpu.dma_semaphore, #tpu.memory_space<semaphore_mem>>
      %dma_start3A_505 = tpu.memref_squeeze %dma_start3A_504 : memref<1x!tpu.dma_semaphore, #tpu.memory_space<semaphore_mem>> -> memref<!tpu.dma_semaphore, #tpu.memory_space<semaphore_mem>>
      tpu.enqueue_indirect_dma source(%dma_start3A_503 : memref<50000x128xf32, #tpu.memory_space<hbm>>) target(%dma_start3A_499 : memref<128x128xf32, #tpu.memory_space<vmem>>) offsets(%dma_start3A_500 : memref<128xi32, #tpu.memory_space<vmem>>) semaphore(%dma_start3A_505 : memref<!tpu.dma_semaphore, #tpu.memory_space<semaphore_mem>>)
      %add3A_506 = arith.constant 3 : i32
      %add3A_507 = arith.addi %add3A_352, %add3A_506 : i32
      %mul3A_508 = arith.constant 128 : i32
      %mul3A_509 = arith.muli %add3A_507, %mul3A_508 : i32
      %sub3A_510 = arith.constant 128 : i32
      %sub3A_511 = arith.subi %sub3A_51, %sub3A_510 : i32
      %min3A_512 = arith.minsi %mul3A_509, %sub3A_511 : i32
      %multiple_of3A_513 = tpu.assume_multiple %min3A_512, 8 : i32
      %dma_wait3A_514 = arith.constant 3 : i32
      %dma_wait3A_515 = arith.constant 3 : i32
      %dma_wait3A_516 = arith.constant 0 : i32
      %dma_wait3A_517 = arith.constant 0 : i32
      %dma_wait3A_518 = tpu.memref_slice %arg6[%dma_wait3A_514, %dma_wait3A_516, %dma_wait3A_517] : memref<7x128x128xf32, #tpu.memory_space<vmem>> -> memref<1x128x128xf32, #tpu.memory_space<vmem>>
      %dma_wait3A_519 = tpu.memref_squeeze %dma_wait3A_518 : memref<1x128x128xf32, #tpu.memory_space<vmem>> -> memref<128x128xf32, #tpu.memory_space<vmem>>
      %dma_wait3A_520 = tpu.memref_slice %arg5[%multiple_of3A_513] : memref<6256xi32, #tpu.memory_space<vmem>> -> memref<128xi32, #tpu.memory_space<vmem>>
      %dma_wait3A_521 = arith.constant 0 : i32
      %dma_wait3A_522 = arith.constant 0 : i32
      %dma_wait3A_523 = tpu.memref_slice %arg2[%dma_wait3A_521, %dma_wait3A_522] : memref<50000x128xf32, #tpu.memory_space<hbm>> -> memref<50000x128xf32, #tpu.memory_space<hbm>>
      %dma_wait3A_524 = tpu.memref_slice %arg7[%dma_wait3A_515] : memref<7x!tpu.dma_semaphore, #tpu.memory_space<semaphore_mem>> -> memref<1x!tpu.dma_semaphore, #tpu.memory_space<semaphore_mem>>
      %dma_wait3A_525 = tpu.memref_squeeze %dma_wait3A_524 : memref<1x!tpu.dma_semaphore, #tpu.memory_space<semaphore_mem>> -> memref<!tpu.dma_semaphore, #tpu.memory_space<semaphore_mem>>
      tpu.wait_indirect_dma semaphore(%dma_wait3A_525 : memref<!tpu.dma_semaphore, #tpu.memory_space<semaphore_mem>>) src(%dma_wait3A_523 : memref<50000x128xf32, #tpu.memory_space<hbm>>) dst(%dma_wait3A_519 : memref<128x128xf32, #tpu.memory_space<vmem>>)
      %mul3A_526 = arith.constant 128 : i32
      %mul3A_527 = arith.muli %add3A_507, %mul3A_526 : i32
      %sub3A_528 = arith.constant 128 : i32
      %sub3A_529 = arith.subi %sub3A_51, %sub3A_528 : i32
      %min3A_530 = arith.minsi %mul3A_527, %sub3A_529 : i32
      %multiple_of3A_531 = tpu.assume_multiple %min3A_530, 8 : i32
      %add3A_532 = arith.addi %mul3A_20, %multiple_of3A_531 : i32
      %multiple_of3A_533 = tpu.assume_multiple %add3A_532, 8 : i32
      %run_scoped3A_534 = arith.constant 3 : i32
      "tpu.region"() ({
        %run_scoped3A_710 = tpu.sem_alloc : memref<!tpu.dma_semaphore, #tpu.memory_space<semaphore_mem>>
        %dma_start3A_711 = arith.constant 0 : i32
        %dma_start3A_712 = arith.constant 0 : i32
        %dma_start3A_713 = tpu.memref_slice %arg6[%run_scoped3A_534, %dma_start3A_711, %dma_start3A_712] : memref<7x128x128xf32, #tpu.memory_space<vmem>> -> memref<1x128x128xf32, #tpu.memory_space<vmem>>
        %dma_start3A_714 = tpu.memref_squeeze %dma_start3A_713 : memref<1x128x128xf32, #tpu.memory_space<vmem>> -> memref<128x128xf32, #tpu.memory_space<vmem>>
        %dma_start3A_715 = arith.constant 0 : i32
        %dma_start3A_716 = tpu.memref_slice %arg4[%multiple_of3A_533, %dma_start3A_715] : memref<200000x128xf32, #tpu.memory_space<hbm>> -> memref<128x128xf32, #tpu.memory_space<hbm>>
        %dma_start3A_717 = arith.constant 0 : i32
        %dma_start3A_718 = tpu.memref_slice %arg4[%multiple_of3A_533, %dma_start3A_717] : memref<200000x128xf32, #tpu.memory_space<hbm>> -> memref<128x128xf32, #tpu.memory_space<hbm>>
        %dma_start3A_719 = arith.constant 0 : i32
        %dma_start3A_720 = arith.constant 0 : i32
        %dma_start3A_721 = tpu.memref_slice %arg6[%run_scoped3A_534, %dma_start3A_719, %dma_start3A_720] : memref<7x128x128xf32, #tpu.memory_space<vmem>> -> memref<1x128x128xf32, #tpu.memory_space<vmem>>
        %dma_start3A_722 = tpu.memref_squeeze %dma_start3A_721 : memref<1x128x128xf32, #tpu.memory_space<vmem>> -> memref<128x128xf32, #tpu.memory_space<vmem>>
        tpu.enqueue_dma source(%dma_start3A_722 : memref<128x128xf32, #tpu.memory_space<vmem>>) target(%dma_start3A_718 : memref<128x128xf32, #tpu.memory_space<hbm>>) target_semaphore(%run_scoped3A_710 : memref<!tpu.dma_semaphore, #tpu.memory_space<semaphore_mem>>)
        %dma_wait3A_723 = arith.constant 0 : i32
        %dma_wait3A_724 = arith.constant 0 : i32
        %dma_wait3A_725 = tpu.memref_slice %arg6[%run_scoped3A_534, %dma_wait3A_723, %dma_wait3A_724] : memref<7x128x128xf32, #tpu.memory_space<vmem>> -> memref<1x128x128xf32, #tpu.memory_space<vmem>>
        %dma_wait3A_726 = tpu.memref_squeeze %dma_wait3A_725 : memref<1x128x128xf32, #tpu.memory_space<vmem>> -> memref<128x128xf32, #tpu.memory_space<vmem>>
        %dma_wait3A_727 = arith.constant 0 : i32
        %dma_wait3A_728 = tpu.memref_slice %arg4[%multiple_of3A_533, %dma_wait3A_727] : memref<200000x128xf32, #tpu.memory_space<hbm>> -> memref<128x128xf32, #tpu.memory_space<hbm>>
        %dma_wait3A_729 = arith.constant 0 : i32
        %dma_wait3A_730 = tpu.memref_slice %arg4[%multiple_of3A_533, %dma_wait3A_729] : memref<200000x128xf32, #tpu.memory_space<hbm>> -> memref<128x128xf32, #tpu.memory_space<hbm>>
        %dma_wait3A_731 = arith.constant 0 : i32
        %dma_wait3A_732 = arith.constant 0 : i32
        %dma_wait3A_733 = tpu.memref_slice %arg6[%run_scoped3A_534, %dma_wait3A_731, %dma_wait3A_732] : memref<7x128x128xf32, #tpu.memory_space<vmem>> -> memref<1x128x128xf32, #tpu.memory_space<vmem>>
        %dma_wait3A_734 = tpu.memref_squeeze %dma_wait3A_733 : memref<1x128x128xf32, #tpu.memory_space<vmem>> -> memref<128x128xf32, #tpu.memory_space<vmem>>
        tpu.wait_dma2 semaphore(%run_scoped3A_710 : memref<!tpu.dma_semaphore, #tpu.memory_space<semaphore_mem>>) src(%dma_wait3A_734 : memref<128x128xf32, #tpu.memory_space<vmem>>) dst(%dma_wait3A_730 : memref<128x128xf32, #tpu.memory_space<hbm>>)
        tpu.yield
      }) : () -> ()
      %add3A_535 = arith.constant 3 : i32
      %add3A_536 = arith.addi %add3A_352, %add3A_535 : i32
      %add3A_537 = arith.constant 7 : i32
      %add3A_538 = arith.addi %add3A_536, %add3A_537 : i32
      %mul3A_539 = arith.constant 128 : i32
      %mul3A_540 = arith.muli %add3A_538, %mul3A_539 : i32
      %sub3A_541 = arith.constant 128 : i32
      %sub3A_542 = arith.subi %sub3A_51, %sub3A_541 : i32
      %min3A_543 = arith.minsi %mul3A_540, %sub3A_542 : i32
      %multiple_of3A_544 = tpu.assume_multiple %min3A_543, 8 : i32
      %dma_start3A_545 = arith.constant 3 : i32
      %dma_start3A_546 = arith.constant 3 : i32
      %dma_start3A_547 = arith.constant 0 : i32
      %dma_start3A_548 = arith.constant 0 : i32
      %dma_start3A_549 = tpu.memref_slice %arg6[%dma_start3A_545, %dma_start3A_547, %dma_start3A_548] : memref<7x128x128xf32, #tpu.memory_space<vmem>> -> memref<1x128x128xf32, #tpu.memory_space<vmem>>
      %dma_start3A_550 = tpu.memref_squeeze %dma_start3A_549 : memref<1x128x128xf32, #tpu.memory_space<vmem>> -> memref<128x128xf32, #tpu.memory_space<vmem>>
      %dma_start3A_551 = tpu.memref_slice %arg5[%multiple_of3A_544] : memref<6256xi32, #tpu.memory_space<vmem>> -> memref<128xi32, #tpu.memory_space<vmem>>
      %dma_start3A_552 = arith.constant 0 : i32
      %dma_start3A_553 = arith.constant 0 : i32
      %dma_start3A_554 = tpu.memref_slice %arg2[%dma_start3A_552, %dma_start3A_553] : memref<50000x128xf32, #tpu.memory_space<hbm>> -> memref<50000x128xf32, #tpu.memory_space<hbm>>
      %dma_start3A_555 = tpu.memref_slice %arg7[%dma_start3A_546] : memref<7x!tpu.dma_semaphore, #tpu.memory_space<semaphore_mem>> -> memref<1x!tpu.dma_semaphore, #tpu.memory_space<semaphore_mem>>
      %dma_start3A_556 = tpu.memref_squeeze %dma_start3A_555 : memref<1x!tpu.dma_semaphore, #tpu.memory_space<semaphore_mem>> -> memref<!tpu.dma_semaphore, #tpu.memory_space<semaphore_mem>>
      tpu.enqueue_indirect_dma source(%dma_start3A_554 : memref<50000x128xf32, #tpu.memory_space<hbm>>) target(%dma_start3A_550 : memref<128x128xf32, #tpu.memory_space<vmem>>) offsets(%dma_start3A_551 : memref<128xi32, #tpu.memory_space<vmem>>) semaphore(%dma_start3A_556 : memref<!tpu.dma_semaphore, #tpu.memory_space<semaphore_mem>>)
      %add3A_557 = arith.constant 4 : i32
      %add3A_558 = arith.addi %add3A_352, %add3A_557 : i32
      %mul3A_559 = arith.constant 128 : i32
      %mul3A_560 = arith.muli %add3A_558, %mul3A_559 : i32
      %sub3A_561 = arith.constant 128 : i32
      %sub3A_562 = arith.subi %sub3A_51, %sub3A_561 : i32
      %min3A_563 = arith.minsi %mul3A_560, %sub3A_562 : i32
      %multiple_of3A_564 = tpu.assume_multiple %min3A_563, 8 : i32
      %dma_wait3A_565 = arith.constant 4 : i32
      %dma_wait3A_566 = arith.constant 4 : i32
      %dma_wait3A_567 = arith.constant 0 : i32
      %dma_wait3A_568 = arith.constant 0 : i32
      %dma_wait3A_569 = tpu.memref_slice %arg6[%dma_wait3A_565, %dma_wait3A_567, %dma_wait3A_568] : memref<7x128x128xf32, #tpu.memory_space<vmem>> -> memref<1x128x128xf32, #tpu.memory_space<vmem>>
      %dma_wait3A_570 = tpu.memref_squeeze %dma_wait3A_569 : memref<1x128x128xf32, #tpu.memory_space<vmem>> -> memref<128x128xf32, #tpu.memory_space<vmem>>
      %dma_wait3A_571 = tpu.memref_slice %arg5[%multiple_of3A_564] : memref<6256xi32, #tpu.memory_space<vmem>> -> memref<128xi32, #tpu.memory_space<vmem>>
      %dma_wait3A_572 = arith.constant 0 : i32
      %dma_wait3A_573 = arith.constant 0 : i32
      %dma_wait3A_574 = tpu.memref_slice %arg2[%dma_wait3A_572, %dma_wait3A_573] : memref<50000x128xf32, #tpu.memory_space<hbm>> -> memref<50000x128xf32, #tpu.memory_space<hbm>>
      %dma_wait3A_575 = tpu.memref_slice %arg7[%dma_wait3A_566] : memref<7x!tpu.dma_semaphore, #tpu.memory_space<semaphore_mem>> -> memref<1x!tpu.dma_semaphore, #tpu.memory_space<semaphore_mem>>
      %dma_wait3A_576 = tpu.memref_squeeze %dma_wait3A_575 : memref<1x!tpu.dma_semaphore, #tpu.memory_space<semaphore_mem>> -> memref<!tpu.dma_semaphore, #tpu.memory_space<semaphore_mem>>
      tpu.wait_indirect_dma semaphore(%dma_wait3A_576 : memref<!tpu.dma_semaphore, #tpu.memory_space<semaphore_mem>>) src(%dma_wait3A_574 : memref<50000x128xf32, #tpu.memory_space<hbm>>) dst(%dma_wait3A_570 : memref<128x128xf32, #tpu.memory_space<vmem>>)
      %mul3A_577 = arith.constant 128 : i32
      %mul3A_578 = arith.muli %add3A_558, %mul3A_577 : i32
      %sub3A_579 = arith.constant 128 : i32
      %sub3A_580 = arith.subi %sub3A_51, %sub3A_579 : i32
      %min3A_581 = arith.minsi %mul3A_578, %sub3A_580 : i32
      %multiple_of3A_582 = tpu.assume_multiple %min3A_581, 8 : i32
      %add3A_583 = arith.addi %mul3A_20, %multiple_of3A_582 : i32
      %multiple_of3A_584 = tpu.assume_multiple %add3A_583, 8 : i32
      %run_scoped3A_585 = arith.constant 4 : i32
      "tpu.region"() ({
        %run_scoped3A_710 = tpu.sem_alloc : memref<!tpu.dma_semaphore, #tpu.memory_space<semaphore_mem>>
        %dma_start3A_711 = arith.constant 0 : i32
        %dma_start3A_712 = arith.constant 0 : i32
        %dma_start3A_713 = tpu.memref_slice %arg6[%run_scoped3A_585, %dma_start3A_711, %dma_start3A_712] : memref<7x128x128xf32, #tpu.memory_space<vmem>> -> memref<1x128x128xf32, #tpu.memory_space<vmem>>
        %dma_start3A_714 = tpu.memref_squeeze %dma_start3A_713 : memref<1x128x128xf32, #tpu.memory_space<vmem>> -> memref<128x128xf32, #tpu.memory_space<vmem>>
        %dma_start3A_715 = arith.constant 0 : i32
        %dma_start3A_716 = tpu.memref_slice %arg4[%multiple_of3A_584, %dma_start3A_715] : memref<200000x128xf32, #tpu.memory_space<hbm>> -> memref<128x128xf32, #tpu.memory_space<hbm>>
        %dma_start3A_717 = arith.constant 0 : i32
        %dma_start3A_718 = tpu.memref_slice %arg4[%multiple_of3A_584, %dma_start3A_717] : memref<200000x128xf32, #tpu.memory_space<hbm>> -> memref<128x128xf32, #tpu.memory_space<hbm>>
        %dma_start3A_719 = arith.constant 0 : i32
        %dma_start3A_720 = arith.constant 0 : i32
        %dma_start3A_721 = tpu.memref_slice %arg6[%run_scoped3A_585, %dma_start3A_719, %dma_start3A_720] : memref<7x128x128xf32, #tpu.memory_space<vmem>> -> memref<1x128x128xf32, #tpu.memory_space<vmem>>
        %dma_start3A_722 = tpu.memref_squeeze %dma_start3A_721 : memref<1x128x128xf32, #tpu.memory_space<vmem>> -> memref<128x128xf32, #tpu.memory_space<vmem>>
        tpu.enqueue_dma source(%dma_start3A_722 : memref<128x128xf32, #tpu.memory_space<vmem>>) target(%dma_start3A_718 : memref<128x128xf32, #tpu.memory_space<hbm>>) target_semaphore(%run_scoped3A_710 : memref<!tpu.dma_semaphore, #tpu.memory_space<semaphore_mem>>)
        %dma_wait3A_723 = arith.constant 0 : i32
        %dma_wait3A_724 = arith.constant 0 : i32
        %dma_wait3A_725 = tpu.memref_slice %arg6[%run_scoped3A_585, %dma_wait3A_723, %dma_wait3A_724] : memref<7x128x128xf32, #tpu.memory_space<vmem>> -> memref<1x128x128xf32, #tpu.memory_space<vmem>>
        %dma_wait3A_726 = tpu.memref_squeeze %dma_wait3A_725 : memref<1x128x128xf32, #tpu.memory_space<vmem>> -> memref<128x128xf32, #tpu.memory_space<vmem>>
        %dma_wait3A_727 = arith.constant 0 : i32
        %dma_wait3A_728 = tpu.memref_slice %arg4[%multiple_of3A_584, %dma_wait3A_727] : memref<200000x128xf32, #tpu.memory_space<hbm>> -> memref<128x128xf32, #tpu.memory_space<hbm>>
        %dma_wait3A_729 = arith.constant 0 : i32
        %dma_wait3A_730 = tpu.memref_slice %arg4[%multiple_of3A_584, %dma_wait3A_729] : memref<200000x128xf32, #tpu.memory_space<hbm>> -> memref<128x128xf32, #tpu.memory_space<hbm>>
        %dma_wait3A_731 = arith.constant 0 : i32
        %dma_wait3A_732 = arith.constant 0 : i32
        %dma_wait3A_733 = tpu.memref_slice %arg6[%run_scoped3A_585, %dma_wait3A_731, %dma_wait3A_732] : memref<7x128x128xf32, #tpu.memory_space<vmem>> -> memref<1x128x128xf32, #tpu.memory_space<vmem>>
        %dma_wait3A_734 = tpu.memref_squeeze %dma_wait3A_733 : memref<1x128x128xf32, #tpu.memory_space<vmem>> -> memref<128x128xf32, #tpu.memory_space<vmem>>
        tpu.wait_dma2 semaphore(%run_scoped3A_710 : memref<!tpu.dma_semaphore, #tpu.memory_space<semaphore_mem>>) src(%dma_wait3A_734 : memref<128x128xf32, #tpu.memory_space<vmem>>) dst(%dma_wait3A_730 : memref<128x128xf32, #tpu.memory_space<hbm>>)
        tpu.yield
      }) : () -> ()
      %add3A_586 = arith.constant 4 : i32
      %add3A_587 = arith.addi %add3A_352, %add3A_586 : i32
      %add3A_588 = arith.constant 7 : i32
      %add3A_589 = arith.addi %add3A_587, %add3A_588 : i32
      %mul3A_590 = arith.constant 128 : i32
      %mul3A_591 = arith.muli %add3A_589, %mul3A_590 : i32
      %sub3A_592 = arith.constant 128 : i32
      %sub3A_593 = arith.subi %sub3A_51, %sub3A_592 : i32
      %min3A_594 = arith.minsi %mul3A_591, %sub3A_593 : i32
      %multiple_of3A_595 = tpu.assume_multiple %min3A_594, 8 : i32
      %dma_start3A_596 = arith.constant 4 : i32
      %dma_start3A_597 = arith.constant 4 : i32
      %dma_start3A_598 = arith.constant 0 : i32
      %dma_start3A_599 = arith.constant 0 : i32
      %dma_start3A_600 = tpu.memref_slice %arg6[%dma_start3A_596, %dma_start3A_598, %dma_start3A_599] : memref<7x128x128xf32, #tpu.memory_space<vmem>> -> memref<1x128x128xf32, #tpu.memory_space<vmem>>
      %dma_start3A_601 = tpu.memref_squeeze %dma_start3A_600 : memref<1x128x128xf32, #tpu.memory_space<vmem>> -> memref<128x128xf32, #tpu.memory_space<vmem>>
      %dma_start3A_602 = tpu.memref_slice %arg5[%multiple_of3A_595] : memref<6256xi32, #tpu.memory_space<vmem>> -> memref<128xi32, #tpu.memory_space<vmem>>
      %dma_start3A_603 = arith.constant 0 : i32
      %dma_start3A_604 = arith.constant 0 : i32
      %dma_start3A_605 = tpu.memref_slice %arg2[%dma_start3A_603, %dma_start3A_604] : memref<50000x128xf32, #tpu.memory_space<hbm>> -> memref<50000x128xf32, #tpu.memory_space<hbm>>
      %dma_start3A_606 = tpu.memref_slice %arg7[%dma_start3A_597] : memref<7x!tpu.dma_semaphore, #tpu.memory_space<semaphore_mem>> -> memref<1x!tpu.dma_semaphore, #tpu.memory_space<semaphore_mem>>
      %dma_start3A_607 = tpu.memref_squeeze %dma_start3A_606 : memref<1x!tpu.dma_semaphore, #tpu.memory_space<semaphore_mem>> -> memref<!tpu.dma_semaphore, #tpu.memory_space<semaphore_mem>>
      tpu.enqueue_indirect_dma source(%dma_start3A_605 : memref<50000x128xf32, #tpu.memory_space<hbm>>) target(%dma_start3A_601 : memref<128x128xf32, #tpu.memory_space<vmem>>) offsets(%dma_start3A_602 : memref<128xi32, #tpu.memory_space<vmem>>) semaphore(%dma_start3A_607 : memref<!tpu.dma_semaphore, #tpu.memory_space<semaphore_mem>>)
      %add3A_608 = arith.constant 5 : i32
      %add3A_609 = arith.addi %add3A_352, %add3A_608 : i32
      %mul3A_610 = arith.constant 128 : i32
      %mul3A_611 = arith.muli %add3A_609, %mul3A_610 : i32
      %sub3A_612 = arith.constant 128 : i32
      %sub3A_613 = arith.subi %sub3A_51, %sub3A_612 : i32
      %min3A_614 = arith.minsi %mul3A_611, %sub3A_613 : i32
      %multiple_of3A_615 = tpu.assume_multiple %min3A_614, 8 : i32
      %dma_wait3A_616 = arith.constant 5 : i32
      %dma_wait3A_617 = arith.constant 5 : i32
      %dma_wait3A_618 = arith.constant 0 : i32
      %dma_wait3A_619 = arith.constant 0 : i32
      %dma_wait3A_620 = tpu.memref_slice %arg6[%dma_wait3A_616, %dma_wait3A_618, %dma_wait3A_619] : memref<7x128x128xf32, #tpu.memory_space<vmem>> -> memref<1x128x128xf32, #tpu.memory_space<vmem>>
      %dma_wait3A_621 = tpu.memref_squeeze %dma_wait3A_620 : memref<1x128x128xf32, #tpu.memory_space<vmem>> -> memref<128x128xf32, #tpu.memory_space<vmem>>
      %dma_wait3A_622 = tpu.memref_slice %arg5[%multiple_of3A_615] : memref<6256xi32, #tpu.memory_space<vmem>> -> memref<128xi32, #tpu.memory_space<vmem>>
      %dma_wait3A_623 = arith.constant 0 : i32
      %dma_wait3A_624 = arith.constant 0 : i32
      %dma_wait3A_625 = tpu.memref_slice %arg2[%dma_wait3A_623, %dma_wait3A_624] : memref<50000x128xf32, #tpu.memory_space<hbm>> -> memref<50000x128xf32, #tpu.memory_space<hbm>>
      %dma_wait3A_626 = tpu.memref_slice %arg7[%dma_wait3A_617] : memref<7x!tpu.dma_semaphore, #tpu.memory_space<semaphore_mem>> -> memref<1x!tpu.dma_semaphore, #tpu.memory_space<semaphore_mem>>
      %dma_wait3A_627 = tpu.memref_squeeze %dma_wait3A_626 : memref<1x!tpu.dma_semaphore, #tpu.memory_space<semaphore_mem>> -> memref<!tpu.dma_semaphore, #tpu.memory_space<semaphore_mem>>
      tpu.wait_indirect_dma semaphore(%dma_wait3A_627 : memref<!tpu.dma_semaphore, #tpu.memory_space<semaphore_mem>>) src(%dma_wait3A_625 : memref<50000x128xf32, #tpu.memory_space<hbm>>) dst(%dma_wait3A_621 : memref<128x128xf32, #tpu.memory_space<vmem>>)
      %mul3A_628 = arith.constant 128 : i32
      %mul3A_629 = arith.muli %add3A_609, %mul3A_628 : i32
      %sub3A_630 = arith.constant 128 : i32
      %sub3A_631 = arith.subi %sub3A_51, %sub3A_630 : i32
      %min3A_632 = arith.minsi %mul3A_629, %sub3A_631 : i32
      %multiple_of3A_633 = tpu.assume_multiple %min3A_632, 8 : i32
      %add3A_634 = arith.addi %mul3A_20, %multiple_of3A_633 : i32
      %multiple_of3A_635 = tpu.assume_multiple %add3A_634, 8 : i32
      %run_scoped3A_636 = arith.constant 5 : i32
      "tpu.region"() ({
        %run_scoped3A_710 = tpu.sem_alloc : memref<!tpu.dma_semaphore, #tpu.memory_space<semaphore_mem>>
        %dma_start3A_711 = arith.constant 0 : i32
        %dma_start3A_712 = arith.constant 0 : i32
        %dma_start3A_713 = tpu.memref_slice %arg6[%run_scoped3A_636, %dma_start3A_711, %dma_start3A_712] : memref<7x128x128xf32, #tpu.memory_space<vmem>> -> memref<1x128x128xf32, #tpu.memory_space<vmem>>
        %dma_start3A_714 = tpu.memref_squeeze %dma_start3A_713 : memref<1x128x128xf32, #tpu.memory_space<vmem>> -> memref<128x128xf32, #tpu.memory_space<vmem>>
        %dma_start3A_715 = arith.constant 0 : i32
        %dma_start3A_716 = tpu.memref_slice %arg4[%multiple_of3A_635, %dma_start3A_715] : memref<200000x128xf32, #tpu.memory_space<hbm>> -> memref<128x128xf32, #tpu.memory_space<hbm>>
        %dma_start3A_717 = arith.constant 0 : i32
        %dma_start3A_718 = tpu.memref_slice %arg4[%multiple_of3A_635, %dma_start3A_717] : memref<200000x128xf32, #tpu.memory_space<hbm>> -> memref<128x128xf32, #tpu.memory_space<hbm>>
        %dma_start3A_719 = arith.constant 0 : i32
        %dma_start3A_720 = arith.constant 0 : i32
        %dma_start3A_721 = tpu.memref_slice %arg6[%run_scoped3A_636, %dma_start3A_719, %dma_start3A_720] : memref<7x128x128xf32, #tpu.memory_space<vmem>> -> memref<1x128x128xf32, #tpu.memory_space<vmem>>
        %dma_start3A_722 = tpu.memref_squeeze %dma_start3A_721 : memref<1x128x128xf32, #tpu.memory_space<vmem>> -> memref<128x128xf32, #tpu.memory_space<vmem>>
        tpu.enqueue_dma source(%dma_start3A_722 : memref<128x128xf32, #tpu.memory_space<vmem>>) target(%dma_start3A_718 : memref<128x128xf32, #tpu.memory_space<hbm>>) target_semaphore(%run_scoped3A_710 : memref<!tpu.dma_semaphore, #tpu.memory_space<semaphore_mem>>)
        %dma_wait3A_723 = arith.constant 0 : i32
        %dma_wait3A_724 = arith.constant 0 : i32
        %dma_wait3A_725 = tpu.memref_slice %arg6[%run_scoped3A_636, %dma_wait3A_723, %dma_wait3A_724] : memref<7x128x128xf32, #tpu.memory_space<vmem>> -> memref<1x128x128xf32, #tpu.memory_space<vmem>>
        %dma_wait3A_726 = tpu.memref_squeeze %dma_wait3A_725 : memref<1x128x128xf32, #tpu.memory_space<vmem>> -> memref<128x128xf32, #tpu.memory_space<vmem>>
        %dma_wait3A_727 = arith.constant 0 : i32
        %dma_wait3A_728 = tpu.memref_slice %arg4[%multiple_of3A_635, %dma_wait3A_727] : memref<200000x128xf32, #tpu.memory_space<hbm>> -> memref<128x128xf32, #tpu.memory_space<hbm>>
        %dma_wait3A_729 = arith.constant 0 : i32
        %dma_wait3A_730 = tpu.memref_slice %arg4[%multiple_of3A_635, %dma_wait3A_729] : memref<200000x128xf32, #tpu.memory_space<hbm>> -> memref<128x128xf32, #tpu.memory_space<hbm>>
        %dma_wait3A_731 = arith.constant 0 : i32
        %dma_wait3A_732 = arith.constant 0 : i32
        %dma_wait3A_733 = tpu.memref_slice %arg6[%run_scoped3A_636, %dma_wait3A_731, %dma_wait3A_732] : memref<7x128x128xf32, #tpu.memory_space<vmem>> -> memref<1x128x128xf32, #tpu.memory_space<vmem>>
        %dma_wait3A_734 = tpu.memref_squeeze %dma_wait3A_733 : memref<1x128x128xf32, #tpu.memory_space<vmem>> -> memref<128x128xf32, #tpu.memory_space<vmem>>
        tpu.wait_dma2 semaphore(%run_scoped3A_710 : memref<!tpu.dma_semaphore, #tpu.memory_space<semaphore_mem>>) src(%dma_wait3A_734 : memref<128x128xf32, #tpu.memory_space<vmem>>) dst(%dma_wait3A_730 : memref<128x128xf32, #tpu.memory_space<hbm>>)
        tpu.yield
      }) : () -> ()
      %add3A_637 = arith.constant 5 : i32
      %add3A_638 = arith.addi %add3A_352, %add3A_637 : i32
      %add3A_639 = arith.constant 7 : i32
      %add3A_640 = arith.addi %add3A_638, %add3A_639 : i32
      %mul3A_641 = arith.constant 128 : i32
      %mul3A_642 = arith.muli %add3A_640, %mul3A_641 : i32
      %sub3A_643 = arith.constant 128 : i32
      %sub3A_644 = arith.subi %sub3A_51, %sub3A_643 : i32
      %min3A_645 = arith.minsi %mul3A_642, %sub3A_644 : i32
      %multiple_of3A_646 = tpu.assume_multiple %min3A_645, 8 : i32
      %dma_start3A_647 = arith.constant 5 : i32
      %dma_start3A_648 = arith.constant 5 : i32
      %dma_start3A_649 = arith.constant 0 : i32
      %dma_start3A_650 = arith.constant 0 : i32
      %dma_start3A_651 = tpu.memref_slice %arg6[%dma_start3A_647, %dma_start3A_649, %dma_start3A_650] : memref<7x128x128xf32, #tpu.memory_space<vmem>> -> memref<1x128x128xf32, #tpu.memory_space<vmem>>
      %dma_start3A_652 = tpu.memref_squeeze %dma_start3A_651 : memref<1x128x128xf32, #tpu.memory_space<vmem>> -> memref<128x128xf32, #tpu.memory_space<vmem>>
      %dma_start3A_653 = tpu.memref_slice %arg5[%multiple_of3A_646] : memref<6256xi32, #tpu.memory_space<vmem>> -> memref<128xi32, #tpu.memory_space<vmem>>
      %dma_start3A_654 = arith.constant 0 : i32
      %dma_start3A_655 = arith.constant 0 : i32
      %dma_start3A_656 = tpu.memref_slice %arg2[%dma_start3A_654, %dma_start3A_655] : memref<50000x128xf32, #tpu.memory_space<hbm>> -> memref<50000x128xf32, #tpu.memory_space<hbm>>
      %dma_start3A_657 = tpu.memref_slice %arg7[%dma_start3A_648] : memref<7x!tpu.dma_semaphore, #tpu.memory_space<semaphore_mem>> -> memref<1x!tpu.dma_semaphore, #tpu.memory_space<semaphore_mem>>
      %dma_start3A_658 = tpu.memref_squeeze %dma_start3A_657 : memref<1x!tpu.dma_semaphore, #tpu.memory_space<semaphore_mem>> -> memref<!tpu.dma_semaphore, #tpu.memory_space<semaphore_mem>>
      tpu.enqueue_indirect_dma source(%dma_start3A_656 : memref<50000x128xf32, #tpu.memory_space<hbm>>) target(%dma_start3A_652 : memref<128x128xf32, #tpu.memory_space<vmem>>) offsets(%dma_start3A_653 : memref<128xi32, #tpu.memory_space<vmem>>) semaphore(%dma_start3A_658 : memref<!tpu.dma_semaphore, #tpu.memory_space<semaphore_mem>>)
      %add3A_659 = arith.constant 6 : i32
      %add3A_660 = arith.addi %add3A_352, %add3A_659 : i32
      %mul3A_661 = arith.constant 128 : i32
      %mul3A_662 = arith.muli %add3A_660, %mul3A_661 : i32
      %sub3A_663 = arith.constant 128 : i32
      %sub3A_664 = arith.subi %sub3A_51, %sub3A_663 : i32
      %min3A_665 = arith.minsi %mul3A_662, %sub3A_664 : i32
      %multiple_of3A_666 = tpu.assume_multiple %min3A_665, 8 : i32
      %dma_wait3A_667 = arith.constant 6 : i32
      %dma_wait3A_668 = arith.constant 6 : i32
      %dma_wait3A_669 = arith.constant 0 : i32
      %dma_wait3A_670 = arith.constant 0 : i32
      %dma_wait3A_671 = tpu.memref_slice %arg6[%dma_wait3A_667, %dma_wait3A_669, %dma_wait3A_670] : memref<7x128x128xf32, #tpu.memory_space<vmem>> -> memref<1x128x128xf32, #tpu.memory_space<vmem>>
      %dma_wait3A_672 = tpu.memref_squeeze %dma_wait3A_671 : memref<1x128x128xf32, #tpu.memory_space<vmem>> -> memref<128x128xf32, #tpu.memory_space<vmem>>
      %dma_wait3A_673 = tpu.memref_slice %arg5[%multiple_of3A_666] : memref<6256xi32, #tpu.memory_space<vmem>> -> memref<128xi32, #tpu.memory_space<vmem>>
      %dma_wait3A_674 = arith.constant 0 : i32
      %dma_wait3A_675 = arith.constant 0 : i32
      %dma_wait3A_676 = tpu.memref_slice %arg2[%dma_wait3A_674, %dma_wait3A_675] : memref<50000x128xf32, #tpu.memory_space<hbm>> -> memref<50000x128xf32, #tpu.memory_space<hbm>>
      %dma_wait3A_677 = tpu.memref_slice %arg7[%dma_wait3A_668] : memref<7x!tpu.dma_semaphore, #tpu.memory_space<semaphore_mem>> -> memref<1x!tpu.dma_semaphore, #tpu.memory_space<semaphore_mem>>
      %dma_wait3A_678 = tpu.memref_squeeze %dma_wait3A_677 : memref<1x!tpu.dma_semaphore, #tpu.memory_space<semaphore_mem>> -> memref<!tpu.dma_semaphore, #tpu.memory_space<semaphore_mem>>
      tpu.wait_indirect_dma semaphore(%dma_wait3A_678 : memref<!tpu.dma_semaphore, #tpu.memory_space<semaphore_mem>>) src(%dma_wait3A_676 : memref<50000x128xf32, #tpu.memory_space<hbm>>) dst(%dma_wait3A_672 : memref<128x128xf32, #tpu.memory_space<vmem>>)
      %mul3A_679 = arith.constant 128 : i32
      %mul3A_680 = arith.muli %add3A_660, %mul3A_679 : i32
      %sub3A_681 = arith.constant 128 : i32
      %sub3A_682 = arith.subi %sub3A_51, %sub3A_681 : i32
      %min3A_683 = arith.minsi %mul3A_680, %sub3A_682 : i32
      %multiple_of3A_684 = tpu.assume_multiple %min3A_683, 8 : i32
      %add3A_685 = arith.addi %mul3A_20, %multiple_of3A_684 : i32
      %multiple_of3A_686 = tpu.assume_multiple %add3A_685, 8 : i32
      %run_scoped3A_687 = arith.constant 6 : i32
      "tpu.region"() ({
        %run_scoped3A_710 = tpu.sem_alloc : memref<!tpu.dma_semaphore, #tpu.memory_space<semaphore_mem>>
        %dma_start3A_711 = arith.constant 0 : i32
        %dma_start3A_712 = arith.constant 0 : i32
        %dma_start3A_713 = tpu.memref_slice %arg6[%run_scoped3A_687, %dma_start3A_711, %dma_start3A_712] : memref<7x128x128xf32, #tpu.memory_space<vmem>> -> memref<1x128x128xf32, #tpu.memory_space<vmem>>
        %dma_start3A_714 = tpu.memref_squeeze %dma_start3A_713 : memref<1x128x128xf32, #tpu.memory_space<vmem>> -> memref<128x128xf32, #tpu.memory_space<vmem>>
        %dma_start3A_715 = arith.constant 0 : i32
        %dma_start3A_716 = tpu.memref_slice %arg4[%multiple_of3A_686, %dma_start3A_715] : memref<200000x128xf32, #tpu.memory_space<hbm>> -> memref<128x128xf32, #tpu.memory_space<hbm>>
        %dma_start3A_717 = arith.constant 0 : i32
        %dma_start3A_718 = tpu.memref_slice %arg4[%multiple_of3A_686, %dma_start3A_717] : memref<200000x128xf32, #tpu.memory_space<hbm>> -> memref<128x128xf32, #tpu.memory_space<hbm>>
        %dma_start3A_719 = arith.constant 0 : i32
        %dma_start3A_720 = arith.constant 0 : i32
        %dma_start3A_721 = tpu.memref_slice %arg6[%run_scoped3A_687, %dma_start3A_719, %dma_start3A_720] : memref<7x128x128xf32, #tpu.memory_space<vmem>> -> memref<1x128x128xf32, #tpu.memory_space<vmem>>
        %dma_start3A_722 = tpu.memref_squeeze %dma_start3A_721 : memref<1x128x128xf32, #tpu.memory_space<vmem>> -> memref<128x128xf32, #tpu.memory_space<vmem>>
        tpu.enqueue_dma source(%dma_start3A_722 : memref<128x128xf32, #tpu.memory_space<vmem>>) target(%dma_start3A_718 : memref<128x128xf32, #tpu.memory_space<hbm>>) target_semaphore(%run_scoped3A_710 : memref<!tpu.dma_semaphore, #tpu.memory_space<semaphore_mem>>)
        %dma_wait3A_723 = arith.constant 0 : i32
        %dma_wait3A_724 = arith.constant 0 : i32
        %dma_wait3A_725 = tpu.memref_slice %arg6[%run_scoped3A_687, %dma_wait3A_723, %dma_wait3A_724] : memref<7x128x128xf32, #tpu.memory_space<vmem>> -> memref<1x128x128xf32, #tpu.memory_space<vmem>>
        %dma_wait3A_726 = tpu.memref_squeeze %dma_wait3A_725 : memref<1x128x128xf32, #tpu.memory_space<vmem>> -> memref<128x128xf32, #tpu.memory_space<vmem>>
        %dma_wait3A_727 = arith.constant 0 : i32
        %dma_wait3A_728 = tpu.memref_slice %arg4[%multiple_of3A_686, %dma_wait3A_727] : memref<200000x128xf32, #tpu.memory_space<hbm>> -> memref<128x128xf32, #tpu.memory_space<hbm>>
        %dma_wait3A_729 = arith.constant 0 : i32
        %dma_wait3A_730 = tpu.memref_slice %arg4[%multiple_of3A_686, %dma_wait3A_729] : memref<200000x128xf32, #tpu.memory_space<hbm>> -> memref<128x128xf32, #tpu.memory_space<hbm>>
        %dma_wait3A_731 = arith.constant 0 : i32
        %dma_wait3A_732 = arith.constant 0 : i32
        %dma_wait3A_733 = tpu.memref_slice %arg6[%run_scoped3A_687, %dma_wait3A_731, %dma_wait3A_732] : memref<7x128x128xf32, #tpu.memory_space<vmem>> -> memref<1x128x128xf32, #tpu.memory_space<vmem>>
        %dma_wait3A_734 = tpu.memref_squeeze %dma_wait3A_733 : memref<1x128x128xf32, #tpu.memory_space<vmem>> -> memref<128x128xf32, #tpu.memory_space<vmem>>
        tpu.wait_dma2 semaphore(%run_scoped3A_710 : memref<!tpu.dma_semaphore, #tpu.memory_space<semaphore_mem>>) src(%dma_wait3A_734 : memref<128x128xf32, #tpu.memory_space<vmem>>) dst(%dma_wait3A_730 : memref<128x128xf32, #tpu.memory_space<hbm>>)
        tpu.yield
      }) : () -> ()
      %add3A_688 = arith.constant 6 : i32
      %add3A_689 = arith.addi %add3A_352, %add3A_688 : i32
      %add3A_690 = arith.constant 7 : i32
      %add3A_691 = arith.addi %add3A_689, %add3A_690 : i32
      %mul3A_692 = arith.constant 128 : i32
      %mul3A_693 = arith.muli %add3A_691, %mul3A_692 : i32
      %sub3A_694 = arith.constant 128 : i32
      %sub3A_695 = arith.subi %sub3A_51, %sub3A_694 : i32
      %min3A_696 = arith.minsi %mul3A_693, %sub3A_695 : i32
      %multiple_of3A_697 = tpu.assume_multiple %min3A_696, 8 : i32
      %dma_start3A_698 = arith.constant 6 : i32
      %dma_start3A_699 = arith.constant 6 : i32
      %dma_start3A_700 = arith.constant 0 : i32
      %dma_start3A_701 = arith.constant 0 : i32
      %dma_start3A_702 = tpu.memref_slice %arg6[%dma_start3A_698, %dma_start3A_700, %dma_start3A_701] : memref<7x128x128xf32, #tpu.memory_space<vmem>> -> memref<1x128x128xf32, #tpu.memory_space<vmem>>
      %dma_start3A_703 = tpu.memref_squeeze %dma_start3A_702 : memref<1x128x128xf32, #tpu.memory_space<vmem>> -> memref<128x128xf32, #tpu.memory_space<vmem>>
      %dma_start3A_704 = tpu.memref_slice %arg5[%multiple_of3A_697] : memref<6256xi32, #tpu.memory_space<vmem>> -> memref<128xi32, #tpu.memory_space<vmem>>
      %dma_start3A_705 = arith.constant 0 : i32
      %dma_start3A_706 = arith.constant 0 : i32
      %dma_start3A_707 = tpu.memref_slice %arg2[%dma_start3A_705, %dma_start3A_706] : memref<50000x128xf32, #tpu.memory_space<hbm>> -> memref<50000x128xf32, #tpu.memory_space<hbm>>
      %dma_start3A_708 = tpu.memref_slice %arg7[%dma_start3A_699] : memref<7x!tpu.dma_semaphore, #tpu.memory_space<semaphore_mem>> -> memref<1x!tpu.dma_semaphore, #tpu.memory_space<semaphore_mem>>
      %dma_start3A_709 = tpu.memref_squeeze %dma_start3A_708 : memref<1x!tpu.dma_semaphore, #tpu.memory_space<semaphore_mem>> -> memref<!tpu.dma_semaphore, #tpu.memory_space<semaphore_mem>>
      tpu.enqueue_indirect_dma source(%dma_start3A_707 : memref<50000x128xf32, #tpu.memory_space<hbm>>) target(%dma_start3A_703 : memref<128x128xf32, #tpu.memory_space<vmem>>) offsets(%dma_start3A_704 : memref<128xi32, #tpu.memory_space<vmem>>) semaphore(%dma_start3A_709 : memref<!tpu.dma_semaphore, #tpu.memory_space<semaphore_mem>>)
    }
    %scan3A_174 = arith.constant 6 : i32
    %sub3A_175 = arith.constant 128 : i32
    %sub3A_176 = arith.subi %sub3A_51, %sub3A_175 : i32
    %min3A_177 = arith.constant 5376 : i32
    %min3A_178 = arith.minsi %min3A_177, %sub3A_176 : i32
    %multiple_of3A_179 = tpu.assume_multiple %min3A_178, 8 : i32
    %dma_wait3A = arith.constant 0 : i32
    %dma_wait3A_180 = arith.constant 0 : i32
    %dma_wait3A_181 = arith.constant 0 : i32
    %dma_wait3A_182 = arith.constant 0 : i32
    %dma_wait3A_183 = tpu.memref_slice %arg6[%dma_wait3A, %dma_wait3A_181, %dma_wait3A_182] : memref<7x128x128xf32, #tpu.memory_space<vmem>> -> memref<1x128x128xf32, #tpu.memory_space<vmem>>
    %dma_wait3A_184 = tpu.memref_squeeze %dma_wait3A_183 : memref<1x128x128xf32, #tpu.memory_space<vmem>> -> memref<128x128xf32, #tpu.memory_space<vmem>>
    %dma_wait3A_185 = tpu.memref_slice %arg5[%multiple_of3A_179] : memref<6256xi32, #tpu.memory_space<vmem>> -> memref<128xi32, #tpu.memory_space<vmem>>
    %dma_wait3A_186 = arith.constant 0 : i32
    %dma_wait3A_187 = arith.constant 0 : i32
    %dma_wait3A_188 = tpu.memref_slice %arg2[%dma_wait3A_186, %dma_wait3A_187] : memref<50000x128xf32, #tpu.memory_space<hbm>> -> memref<50000x128xf32, #tpu.memory_space<hbm>>
    %dma_wait3A_189 = tpu.memref_slice %arg7[%dma_wait3A_180] : memref<7x!tpu.dma_semaphore, #tpu.memory_space<semaphore_mem>> -> memref<1x!tpu.dma_semaphore, #tpu.memory_space<semaphore_mem>>
    %dma_wait3A_190 = tpu.memref_squeeze %dma_wait3A_189 : memref<1x!tpu.dma_semaphore, #tpu.memory_space<semaphore_mem>> -> memref<!tpu.dma_semaphore, #tpu.memory_space<semaphore_mem>>
    tpu.wait_indirect_dma semaphore(%dma_wait3A_190 : memref<!tpu.dma_semaphore, #tpu.memory_space<semaphore_mem>>) src(%dma_wait3A_188 : memref<50000x128xf32, #tpu.memory_space<hbm>>) dst(%dma_wait3A_184 : memref<128x128xf32, #tpu.memory_space<vmem>>)
    %sub3A_191 = arith.constant 128 : i32
    %sub3A_192 = arith.subi %sub3A_51, %sub3A_191 : i32
    %min3A_193 = arith.constant 5376 : i32
    %min3A_194 = arith.minsi %min3A_193, %sub3A_192 : i32
    %multiple_of3A_195 = tpu.assume_multiple %min3A_194, 8 : i32
    %add3A_196 = arith.addi %mul3A_20, %multiple_of3A_195 : i32
    %multiple_of3A_197 = tpu.assume_multiple %add3A_196, 8 : i32
    %run_scoped3A = arith.constant 0 : i32
    "tpu.region"() ({
      %run_scoped3A_348 = tpu.sem_alloc : memref<!tpu.dma_semaphore, #tpu.memory_space<semaphore_mem>>
      %dma_start3A_349 = arith.constant 0 : i32
      %dma_start3A_350 = arith.constant 0 : i32
      %dma_start3A_351 = tpu.memref_slice %arg6[%run_scoped3A, %dma_start3A_349, %dma_start3A_350] : memref<7x128x128xf32, #tpu.memory_space<vmem>> -> memref<1x128x128xf32, #tpu.memory_space<vmem>>
      %dma_start3A_352 = tpu.memref_squeeze %dma_start3A_351 : memref<1x128x128xf32, #tpu.memory_space<vmem>> -> memref<128x128xf32, #tpu.memory_space<vmem>>
      %dma_start3A_353 = arith.constant 0 : i32
      %dma_start3A_354 = tpu.memref_slice %arg4[%multiple_of3A_197, %dma_start3A_353] : memref<200000x128xf32, #tpu.memory_space<hbm>> -> memref<128x128xf32, #tpu.memory_space<hbm>>
      %dma_start3A_355 = arith.constant 0 : i32
      %dma_start3A_356 = tpu.memref_slice %arg4[%multiple_of3A_197, %dma_start3A_355] : memref<200000x128xf32, #tpu.memory_space<hbm>> -> memref<128x128xf32, #tpu.memory_space<hbm>>
      %dma_start3A_357 = arith.constant 0 : i32
      %dma_start3A_358 = arith.constant 0 : i32
      %dma_start3A_359 = tpu.memref_slice %arg6[%run_scoped3A, %dma_start3A_357, %dma_start3A_358] : memref<7x128x128xf32, #tpu.memory_space<vmem>> -> memref<1x128x128xf32, #tpu.memory_space<vmem>>
      %dma_start3A_360 = tpu.memref_squeeze %dma_start3A_359 : memref<1x128x128xf32, #tpu.memory_space<vmem>> -> memref<128x128xf32, #tpu.memory_space<vmem>>
      tpu.enqueue_dma source(%dma_start3A_360 : memref<128x128xf32, #tpu.memory_space<vmem>>) target(%dma_start3A_356 : memref<128x128xf32, #tpu.memory_space<hbm>>) target_semaphore(%run_scoped3A_348 : memref<!tpu.dma_semaphore, #tpu.memory_space<semaphore_mem>>)
      %dma_wait3A_361 = arith.constant 0 : i32
      %dma_wait3A_362 = arith.constant 0 : i32
      %dma_wait3A_363 = tpu.memref_slice %arg6[%run_scoped3A, %dma_wait3A_361, %dma_wait3A_362] : memref<7x128x128xf32, #tpu.memory_space<vmem>> -> memref<1x128x128xf32, #tpu.memory_space<vmem>>
      %dma_wait3A_364 = tpu.memref_squeeze %dma_wait3A_363 : memref<1x128x128xf32, #tpu.memory_space<vmem>> -> memref<128x128xf32, #tpu.memory_space<vmem>>
      %dma_wait3A_365 = arith.constant 0 : i32
      %dma_wait3A_366 = tpu.memref_slice %arg4[%multiple_of3A_197, %dma_wait3A_365] : memref<200000x128xf32, #tpu.memory_space<hbm>> -> memref<128x128xf32, #tpu.memory_space<hbm>>
      %dma_wait3A_367 = arith.constant 0 : i32
      %dma_wait3A_368 = tpu.memref_slice %arg4[%multiple_of3A_197, %dma_wait3A_367] : memref<200000x128xf32, #tpu.memory_space<hbm>> -> memref<128x128xf32, #tpu.memory_space<hbm>>
      %dma_wait3A_369 = arith.constant 0 : i32
      %dma_wait3A_370 = arith.constant 0 : i32
      %dma_wait3A_371 = tpu.memref_slice %arg6[%run_scoped3A, %dma_wait3A_369, %dma_wait3A_370] : memref<7x128x128xf32, #tpu.memory_space<vmem>> -> memref<1x128x128xf32, #tpu.memory_space<vmem>>
      %dma_wait3A_372 = tpu.memref_squeeze %dma_wait3A_371 : memref<1x128x128xf32, #tpu.memory_space<vmem>> -> memref<128x128xf32, #tpu.memory_space<vmem>>
      tpu.wait_dma2 semaphore(%run_scoped3A_348 : memref<!tpu.dma_semaphore, #tpu.memory_space<semaphore_mem>>) src(%dma_wait3A_372 : memref<128x128xf32, #tpu.memory_space<vmem>>) dst(%dma_wait3A_368 : memref<128x128xf32, #tpu.memory_space<hbm>>)
      tpu.yield
    }) : () -> ()
    %sub3A_198 = arith.constant 128 : i32
    %sub3A_199 = arith.subi %sub3A_51, %sub3A_198 : i32
    %min3A_200 = arith.constant 5504 : i32
    %min3A_201 = arith.minsi %min3A_200, %sub3A_199 : i32
    %multiple_of3A_202 = tpu.assume_multiple %min3A_201, 8 : i32
    %dma_wait3A_203 = arith.constant 1 : i32
    %dma_wait3A_204 = arith.constant 1 : i32
    %dma_wait3A_205 = arith.constant 0 : i32
    %dma_wait3A_206 = arith.constant 0 : i32
    %dma_wait3A_207 = tpu.memref_slice %arg6[%dma_wait3A_203, %dma_wait3A_205, %dma_wait3A_206] : memref<7x128x128xf32, #tpu.memory_space<vmem>> -> memref<1x128x128xf32, #tpu.memory_space<vmem>>
    %dma_wait3A_208 = tpu.memref_squeeze %dma_wait3A_207 : memref<1x128x128xf32, #tpu.memory_space<vmem>> -> memref<128x128xf32, #tpu.memory_space<vmem>>
    %dma_wait3A_209 = tpu.memref_slice %arg5[%multiple_of3A_202] : memref<6256xi32, #tpu.memory_space<vmem>> -> memref<128xi32, #tpu.memory_space<vmem>>
    %dma_wait3A_210 = arith.constant 0 : i32
    %dma_wait3A_211 = arith.constant 0 : i32
    %dma_wait3A_212 = tpu.memref_slice %arg2[%dma_wait3A_210, %dma_wait3A_211] : memref<50000x128xf32, #tpu.memory_space<hbm>> -> memref<50000x128xf32, #tpu.memory_space<hbm>>
    %dma_wait3A_213 = tpu.memref_slice %arg7[%dma_wait3A_204] : memref<7x!tpu.dma_semaphore, #tpu.memory_space<semaphore_mem>> -> memref<1x!tpu.dma_semaphore, #tpu.memory_space<semaphore_mem>>
    %dma_wait3A_214 = tpu.memref_squeeze %dma_wait3A_213 : memref<1x!tpu.dma_semaphore, #tpu.memory_space<semaphore_mem>> -> memref<!tpu.dma_semaphore, #tpu.memory_space<semaphore_mem>>
    tpu.wait_indirect_dma semaphore(%dma_wait3A_214 : memref<!tpu.dma_semaphore, #tpu.memory_space<semaphore_mem>>) src(%dma_wait3A_212 : memref<50000x128xf32, #tpu.memory_space<hbm>>) dst(%dma_wait3A_208 : memref<128x128xf32, #tpu.memory_space<vmem>>)
    %sub3A_215 = arith.constant 128 : i32
    %sub3A_216 = arith.subi %sub3A_51, %sub3A_215 : i32
    %min3A_217 = arith.constant 5504 : i32
    %min3A_218 = arith.minsi %min3A_217, %sub3A_216 : i32
    %multiple_of3A_219 = tpu.assume_multiple %min3A_218, 8 : i32
    %add3A_220 = arith.addi %mul3A_20, %multiple_of3A_219 : i32
    %multiple_of3A_221 = tpu.assume_multiple %add3A_220, 8 : i32
    %run_scoped3A_222 = arith.constant 1 : i32
    "tpu.region"() ({
      %run_scoped3A_348 = tpu.sem_alloc : memref<!tpu.dma_semaphore, #tpu.memory_space<semaphore_mem>>
      %dma_start3A_349 = arith.constant 0 : i32
      %dma_start3A_350 = arith.constant 0 : i32
      %dma_start3A_351 = tpu.memref_slice %arg6[%run_scoped3A_222, %dma_start3A_349, %dma_start3A_350] : memref<7x128x128xf32, #tpu.memory_space<vmem>> -> memref<1x128x128xf32, #tpu.memory_space<vmem>>
      %dma_start3A_352 = tpu.memref_squeeze %dma_start3A_351 : memref<1x128x128xf32, #tpu.memory_space<vmem>> -> memref<128x128xf32, #tpu.memory_space<vmem>>
      %dma_start3A_353 = arith.constant 0 : i32
      %dma_start3A_354 = tpu.memref_slice %arg4[%multiple_of3A_221, %dma_start3A_353] : memref<200000x128xf32, #tpu.memory_space<hbm>> -> memref<128x128xf32, #tpu.memory_space<hbm>>
      %dma_start3A_355 = arith.constant 0 : i32
      %dma_start3A_356 = tpu.memref_slice %arg4[%multiple_of3A_221, %dma_start3A_355] : memref<200000x128xf32, #tpu.memory_space<hbm>> -> memref<128x128xf32, #tpu.memory_space<hbm>>
      %dma_start3A_357 = arith.constant 0 : i32
      %dma_start3A_358 = arith.constant 0 : i32
      %dma_start3A_359 = tpu.memref_slice %arg6[%run_scoped3A_222, %dma_start3A_357, %dma_start3A_358] : memref<7x128x128xf32, #tpu.memory_space<vmem>> -> memref<1x128x128xf32, #tpu.memory_space<vmem>>
      %dma_start3A_360 = tpu.memref_squeeze %dma_start3A_359 : memref<1x128x128xf32, #tpu.memory_space<vmem>> -> memref<128x128xf32, #tpu.memory_space<vmem>>
      tpu.enqueue_dma source(%dma_start3A_360 : memref<128x128xf32, #tpu.memory_space<vmem>>) target(%dma_start3A_356 : memref<128x128xf32, #tpu.memory_space<hbm>>) target_semaphore(%run_scoped3A_348 : memref<!tpu.dma_semaphore, #tpu.memory_space<semaphore_mem>>)
      %dma_wait3A_361 = arith.constant 0 : i32
      %dma_wait3A_362 = arith.constant 0 : i32
      %dma_wait3A_363 = tpu.memref_slice %arg6[%run_scoped3A_222, %dma_wait3A_361, %dma_wait3A_362] : memref<7x128x128xf32, #tpu.memory_space<vmem>> -> memref<1x128x128xf32, #tpu.memory_space<vmem>>
      %dma_wait3A_364 = tpu.memref_squeeze %dma_wait3A_363 : memref<1x128x128xf32, #tpu.memory_space<vmem>> -> memref<128x128xf32, #tpu.memory_space<vmem>>
      %dma_wait3A_365 = arith.constant 0 : i32
      %dma_wait3A_366 = tpu.memref_slice %arg4[%multiple_of3A_221, %dma_wait3A_365] : memref<200000x128xf32, #tpu.memory_space<hbm>> -> memref<128x128xf32, #tpu.memory_space<hbm>>
      %dma_wait3A_367 = arith.constant 0 : i32
      %dma_wait3A_368 = tpu.memref_slice %arg4[%multiple_of3A_221, %dma_wait3A_367] : memref<200000x128xf32, #tpu.memory_space<hbm>> -> memref<128x128xf32, #tpu.memory_space<hbm>>
      %dma_wait3A_369 = arith.constant 0 : i32
      %dma_wait3A_370 = arith.constant 0 : i32
      %dma_wait3A_371 = tpu.memref_slice %arg6[%run_scoped3A_222, %dma_wait3A_369, %dma_wait3A_370] : memref<7x128x128xf32, #tpu.memory_space<vmem>> -> memref<1x128x128xf32, #tpu.memory_space<vmem>>
      %dma_wait3A_372 = tpu.memref_squeeze %dma_wait3A_371 : memref<1x128x128xf32, #tpu.memory_space<vmem>> -> memref<128x128xf32, #tpu.memory_space<vmem>>
      tpu.wait_dma2 semaphore(%run_scoped3A_348 : memref<!tpu.dma_semaphore, #tpu.memory_space<semaphore_mem>>) src(%dma_wait3A_372 : memref<128x128xf32, #tpu.memory_space<vmem>>) dst(%dma_wait3A_368 : memref<128x128xf32, #tpu.memory_space<hbm>>)
      tpu.yield
    }) : () -> ()
    %sub3A_223 = arith.constant 128 : i32
    %sub3A_224 = arith.subi %sub3A_51, %sub3A_223 : i32
    %min3A_225 = arith.constant 5632 : i32
    %min3A_226 = arith.minsi %min3A_225, %sub3A_224 : i32
    %multiple_of3A_227 = tpu.assume_multiple %min3A_226, 8 : i32
    %dma_wait3A_228 = arith.constant 2 : i32
    %dma_wait3A_229 = arith.constant 2 : i32
    %dma_wait3A_230 = arith.constant 0 : i32
    %dma_wait3A_231 = arith.constant 0 : i32
    %dma_wait3A_232 = tpu.memref_slice %arg6[%dma_wait3A_228, %dma_wait3A_230, %dma_wait3A_231] : memref<7x128x128xf32, #tpu.memory_space<vmem>> -> memref<1x128x128xf32, #tpu.memory_space<vmem>>
    %dma_wait3A_233 = tpu.memref_squeeze %dma_wait3A_232 : memref<1x128x128xf32, #tpu.memory_space<vmem>> -> memref<128x128xf32, #tpu.memory_space<vmem>>
    %dma_wait3A_234 = tpu.memref_slice %arg5[%multiple_of3A_227] : memref<6256xi32, #tpu.memory_space<vmem>> -> memref<128xi32, #tpu.memory_space<vmem>>
    %dma_wait3A_235 = arith.constant 0 : i32
    %dma_wait3A_236 = arith.constant 0 : i32
    %dma_wait3A_237 = tpu.memref_slice %arg2[%dma_wait3A_235, %dma_wait3A_236] : memref<50000x128xf32, #tpu.memory_space<hbm>> -> memref<50000x128xf32, #tpu.memory_space<hbm>>
    %dma_wait3A_238 = tpu.memref_slice %arg7[%dma_wait3A_229] : memref<7x!tpu.dma_semaphore, #tpu.memory_space<semaphore_mem>> -> memref<1x!tpu.dma_semaphore, #tpu.memory_space<semaphore_mem>>
    %dma_wait3A_239 = tpu.memref_squeeze %dma_wait3A_238 : memref<1x!tpu.dma_semaphore, #tpu.memory_space<semaphore_mem>> -> memref<!tpu.dma_semaphore, #tpu.memory_space<semaphore_mem>>
    tpu.wait_indirect_dma semaphore(%dma_wait3A_239 : memref<!tpu.dma_semaphore, #tpu.memory_space<semaphore_mem>>) src(%dma_wait3A_237 : memref<50000x128xf32, #tpu.memory_space<hbm>>) dst(%dma_wait3A_233 : memref<128x128xf32, #tpu.memory_space<vmem>>)
    %sub3A_240 = arith.constant 128 : i32
    %sub3A_241 = arith.subi %sub3A_51, %sub3A_240 : i32
    %min3A_242 = arith.constant 5632 : i32
    %min3A_243 = arith.minsi %min3A_242, %sub3A_241 : i32
    %multiple_of3A_244 = tpu.assume_multiple %min3A_243, 8 : i32
    %add3A_245 = arith.addi %mul3A_20, %multiple_of3A_244 : i32
    %multiple_of3A_246 = tpu.assume_multiple %add3A_245, 8 : i32
    %run_scoped3A_247 = arith.constant 2 : i32
    "tpu.region"() ({
      %run_scoped3A_348 = tpu.sem_alloc : memref<!tpu.dma_semaphore, #tpu.memory_space<semaphore_mem>>
      %dma_start3A_349 = arith.constant 0 : i32
      %dma_start3A_350 = arith.constant 0 : i32
      %dma_start3A_351 = tpu.memref_slice %arg6[%run_scoped3A_247, %dma_start3A_349, %dma_start3A_350] : memref<7x128x128xf32, #tpu.memory_space<vmem>> -> memref<1x128x128xf32, #tpu.memory_space<vmem>>
      %dma_start3A_352 = tpu.memref_squeeze %dma_start3A_351 : memref<1x128x128xf32, #tpu.memory_space<vmem>> -> memref<128x128xf32, #tpu.memory_space<vmem>>
      %dma_start3A_353 = arith.constant 0 : i32
      %dma_start3A_354 = tpu.memref_slice %arg4[%multiple_of3A_246, %dma_start3A_353] : memref<200000x128xf32, #tpu.memory_space<hbm>> -> memref<128x128xf32, #tpu.memory_space<hbm>>
      %dma_start3A_355 = arith.constant 0 : i32
      %dma_start3A_356 = tpu.memref_slice %arg4[%multiple_of3A_246, %dma_start3A_355] : memref<200000x128xf32, #tpu.memory_space<hbm>> -> memref<128x128xf32, #tpu.memory_space<hbm>>
      %dma_start3A_357 = arith.constant 0 : i32
      %dma_start3A_358 = arith.constant 0 : i32
      %dma_start3A_359 = tpu.memref_slice %arg6[%run_scoped3A_247, %dma_start3A_357, %dma_start3A_358] : memref<7x128x128xf32, #tpu.memory_space<vmem>> -> memref<1x128x128xf32, #tpu.memory_space<vmem>>
      %dma_start3A_360 = tpu.memref_squeeze %dma_start3A_359 : memref<1x128x128xf32, #tpu.memory_space<vmem>> -> memref<128x128xf32, #tpu.memory_space<vmem>>
      tpu.enqueue_dma source(%dma_start3A_360 : memref<128x128xf32, #tpu.memory_space<vmem>>) target(%dma_start3A_356 : memref<128x128xf32, #tpu.memory_space<hbm>>) target_semaphore(%run_scoped3A_348 : memref<!tpu.dma_semaphore, #tpu.memory_space<semaphore_mem>>)
      %dma_wait3A_361 = arith.constant 0 : i32
      %dma_wait3A_362 = arith.constant 0 : i32
      %dma_wait3A_363 = tpu.memref_slice %arg6[%run_scoped3A_247, %dma_wait3A_361, %dma_wait3A_362] : memref<7x128x128xf32, #tpu.memory_space<vmem>> -> memref<1x128x128xf32, #tpu.memory_space<vmem>>
      %dma_wait3A_364 = tpu.memref_squeeze %dma_wait3A_363 : memref<1x128x128xf32, #tpu.memory_space<vmem>> -> memref<128x128xf32, #tpu.memory_space<vmem>>
      %dma_wait3A_365 = arith.constant 0 : i32
      %dma_wait3A_366 = tpu.memref_slice %arg4[%multiple_of3A_246, %dma_wait3A_365] : memref<200000x128xf32, #tpu.memory_space<hbm>> -> memref<128x128xf32, #tpu.memory_space<hbm>>
      %dma_wait3A_367 = arith.constant 0 : i32
      %dma_wait3A_368 = tpu.memref_slice %arg4[%multiple_of3A_246, %dma_wait3A_367] : memref<200000x128xf32, #tpu.memory_space<hbm>> -> memref<128x128xf32, #tpu.memory_space<hbm>>
      %dma_wait3A_369 = arith.constant 0 : i32
      %dma_wait3A_370 = arith.constant 0 : i32
      %dma_wait3A_371 = tpu.memref_slice %arg6[%run_scoped3A_247, %dma_wait3A_369, %dma_wait3A_370] : memref<7x128x128xf32, #tpu.memory_space<vmem>> -> memref<1x128x128xf32, #tpu.memory_space<vmem>>
      %dma_wait3A_372 = tpu.memref_squeeze %dma_wait3A_371 : memref<1x128x128xf32, #tpu.memory_space<vmem>> -> memref<128x128xf32, #tpu.memory_space<vmem>>
      tpu.wait_dma2 semaphore(%run_scoped3A_348 : memref<!tpu.dma_semaphore, #tpu.memory_space<semaphore_mem>>) src(%dma_wait3A_372 : memref<128x128xf32, #tpu.memory_space<vmem>>) dst(%dma_wait3A_368 : memref<128x128xf32, #tpu.memory_space<hbm>>)
      tpu.yield
    }) : () -> ()
    %sub3A_248 = arith.constant 128 : i32
    %sub3A_249 = arith.subi %sub3A_51, %sub3A_248 : i32
    %min3A_250 = arith.constant 5760 : i32
    %min3A_251 = arith.minsi %min3A_250, %sub3A_249 : i32
    %multiple_of3A_252 = tpu.assume_multiple %min3A_251, 8 : i32
    %dma_wait3A_253 = arith.constant 3 : i32
    %dma_wait3A_254 = arith.constant 3 : i32
    %dma_wait3A_255 = arith.constant 0 : i32
    %dma_wait3A_256 = arith.constant 0 : i32
    %dma_wait3A_257 = tpu.memref_slice %arg6[%dma_wait3A_253, %dma_wait3A_255, %dma_wait3A_256] : memref<7x128x128xf32, #tpu.memory_space<vmem>> -> memref<1x128x128xf32, #tpu.memory_space<vmem>>
    %dma_wait3A_258 = tpu.memref_squeeze %dma_wait3A_257 : memref<1x128x128xf32, #tpu.memory_space<vmem>> -> memref<128x128xf32, #tpu.memory_space<vmem>>
    %dma_wait3A_259 = tpu.memref_slice %arg5[%multiple_of3A_252] : memref<6256xi32, #tpu.memory_space<vmem>> -> memref<128xi32, #tpu.memory_space<vmem>>
    %dma_wait3A_260 = arith.constant 0 : i32
    %dma_wait3A_261 = arith.constant 0 : i32
    %dma_wait3A_262 = tpu.memref_slice %arg2[%dma_wait3A_260, %dma_wait3A_261] : memref<50000x128xf32, #tpu.memory_space<hbm>> -> memref<50000x128xf32, #tpu.memory_space<hbm>>
    %dma_wait3A_263 = tpu.memref_slice %arg7[%dma_wait3A_254] : memref<7x!tpu.dma_semaphore, #tpu.memory_space<semaphore_mem>> -> memref<1x!tpu.dma_semaphore, #tpu.memory_space<semaphore_mem>>
    %dma_wait3A_264 = tpu.memref_squeeze %dma_wait3A_263 : memref<1x!tpu.dma_semaphore, #tpu.memory_space<semaphore_mem>> -> memref<!tpu.dma_semaphore, #tpu.memory_space<semaphore_mem>>
    tpu.wait_indirect_dma semaphore(%dma_wait3A_264 : memref<!tpu.dma_semaphore, #tpu.memory_space<semaphore_mem>>) src(%dma_wait3A_262 : memref<50000x128xf32, #tpu.memory_space<hbm>>) dst(%dma_wait3A_258 : memref<128x128xf32, #tpu.memory_space<vmem>>)
    %sub3A_265 = arith.constant 128 : i32
    %sub3A_266 = arith.subi %sub3A_51, %sub3A_265 : i32
    %min3A_267 = arith.constant 5760 : i32
    %min3A_268 = arith.minsi %min3A_267, %sub3A_266 : i32
    %multiple_of3A_269 = tpu.assume_multiple %min3A_268, 8 : i32
    %add3A_270 = arith.addi %mul3A_20, %multiple_of3A_269 : i32
    %multiple_of3A_271 = tpu.assume_multiple %add3A_270, 8 : i32
    %run_scoped3A_272 = arith.constant 3 : i32
    "tpu.region"() ({
      %run_scoped3A_348 = tpu.sem_alloc : memref<!tpu.dma_semaphore, #tpu.memory_space<semaphore_mem>>
      %dma_start3A_349 = arith.constant 0 : i32
      %dma_start3A_350 = arith.constant 0 : i32
      %dma_start3A_351 = tpu.memref_slice %arg6[%run_scoped3A_272, %dma_start3A_349, %dma_start3A_350] : memref<7x128x128xf32, #tpu.memory_space<vmem>> -> memref<1x128x128xf32, #tpu.memory_space<vmem>>
      %dma_start3A_352 = tpu.memref_squeeze %dma_start3A_351 : memref<1x128x128xf32, #tpu.memory_space<vmem>> -> memref<128x128xf32, #tpu.memory_space<vmem>>
      %dma_start3A_353 = arith.constant 0 : i32
      %dma_start3A_354 = tpu.memref_slice %arg4[%multiple_of3A_271, %dma_start3A_353] : memref<200000x128xf32, #tpu.memory_space<hbm>> -> memref<128x128xf32, #tpu.memory_space<hbm>>
      %dma_start3A_355 = arith.constant 0 : i32
      %dma_start3A_356 = tpu.memref_slice %arg4[%multiple_of3A_271, %dma_start3A_355] : memref<200000x128xf32, #tpu.memory_space<hbm>> -> memref<128x128xf32, #tpu.memory_space<hbm>>
      %dma_start3A_357 = arith.constant 0 : i32
      %dma_start3A_358 = arith.constant 0 : i32
      %dma_start3A_359 = tpu.memref_slice %arg6[%run_scoped3A_272, %dma_start3A_357, %dma_start3A_358] : memref<7x128x128xf32, #tpu.memory_space<vmem>> -> memref<1x128x128xf32, #tpu.memory_space<vmem>>
      %dma_start3A_360 = tpu.memref_squeeze %dma_start3A_359 : memref<1x128x128xf32, #tpu.memory_space<vmem>> -> memref<128x128xf32, #tpu.memory_space<vmem>>
      tpu.enqueue_dma source(%dma_start3A_360 : memref<128x128xf32, #tpu.memory_space<vmem>>) target(%dma_start3A_356 : memref<128x128xf32, #tpu.memory_space<hbm>>) target_semaphore(%run_scoped3A_348 : memref<!tpu.dma_semaphore, #tpu.memory_space<semaphore_mem>>)
      %dma_wait3A_361 = arith.constant 0 : i32
      %dma_wait3A_362 = arith.constant 0 : i32
      %dma_wait3A_363 = tpu.memref_slice %arg6[%run_scoped3A_272, %dma_wait3A_361, %dma_wait3A_362] : memref<7x128x128xf32, #tpu.memory_space<vmem>> -> memref<1x128x128xf32, #tpu.memory_space<vmem>>
      %dma_wait3A_364 = tpu.memref_squeeze %dma_wait3A_363 : memref<1x128x128xf32, #tpu.memory_space<vmem>> -> memref<128x128xf32, #tpu.memory_space<vmem>>
      %dma_wait3A_365 = arith.constant 0 : i32
      %dma_wait3A_366 = tpu.memref_slice %arg4[%multiple_of3A_271, %dma_wait3A_365] : memref<200000x128xf32, #tpu.memory_space<hbm>> -> memref<128x128xf32, #tpu.memory_space<hbm>>
      %dma_wait3A_367 = arith.constant 0 : i32
      %dma_wait3A_368 = tpu.memref_slice %arg4[%multiple_of3A_271, %dma_wait3A_367] : memref<200000x128xf32, #tpu.memory_space<hbm>> -> memref<128x128xf32, #tpu.memory_space<hbm>>
      %dma_wait3A_369 = arith.constant 0 : i32
      %dma_wait3A_370 = arith.constant 0 : i32
      %dma_wait3A_371 = tpu.memref_slice %arg6[%run_scoped3A_272, %dma_wait3A_369, %dma_wait3A_370] : memref<7x128x128xf32, #tpu.memory_space<vmem>> -> memref<1x128x128xf32, #tpu.memory_space<vmem>>
      %dma_wait3A_372 = tpu.memref_squeeze %dma_wait3A_371 : memref<1x128x128xf32, #tpu.memory_space<vmem>> -> memref<128x128xf32, #tpu.memory_space<vmem>>
      tpu.wait_dma2 semaphore(%run_scoped3A_348 : memref<!tpu.dma_semaphore, #tpu.memory_space<semaphore_mem>>) src(%dma_wait3A_372 : memref<128x128xf32, #tpu.memory_space<vmem>>) dst(%dma_wait3A_368 : memref<128x128xf32, #tpu.memory_space<hbm>>)
      tpu.yield
    }) : () -> ()
    %sub3A_273 = arith.constant 128 : i32
    %sub3A_274 = arith.subi %sub3A_51, %sub3A_273 : i32
    %min3A_275 = arith.constant 5888 : i32
    %min3A_276 = arith.minsi %min3A_275, %sub3A_274 : i32
    %multiple_of3A_277 = tpu.assume_multiple %min3A_276, 8 : i32
    %dma_wait3A_278 = arith.constant 4 : i32
    %dma_wait3A_279 = arith.constant 4 : i32
    %dma_wait3A_280 = arith.constant 0 : i32
    %dma_wait3A_281 = arith.constant 0 : i32
    %dma_wait3A_282 = tpu.memref_slice %arg6[%dma_wait3A_278, %dma_wait3A_280, %dma_wait3A_281] : memref<7x128x128xf32, #tpu.memory_space<vmem>> -> memref<1x128x128xf32, #tpu.memory_space<vmem>>
    %dma_wait3A_283 = tpu.memref_squeeze %dma_wait3A_282 : memref<1x128x128xf32, #tpu.memory_space<vmem>> -> memref<128x128xf32, #tpu.memory_space<vmem>>
    %dma_wait3A_284 = tpu.memref_slice %arg5[%multiple_of3A_277] : memref<6256xi32, #tpu.memory_space<vmem>> -> memref<128xi32, #tpu.memory_space<vmem>>
    %dma_wait3A_285 = arith.constant 0 : i32
    %dma_wait3A_286 = arith.constant 0 : i32
    %dma_wait3A_287 = tpu.memref_slice %arg2[%dma_wait3A_285, %dma_wait3A_286] : memref<50000x128xf32, #tpu.memory_space<hbm>> -> memref<50000x128xf32, #tpu.memory_space<hbm>>
    %dma_wait3A_288 = tpu.memref_slice %arg7[%dma_wait3A_279] : memref<7x!tpu.dma_semaphore, #tpu.memory_space<semaphore_mem>> -> memref<1x!tpu.dma_semaphore, #tpu.memory_space<semaphore_mem>>
    %dma_wait3A_289 = tpu.memref_squeeze %dma_wait3A_288 : memref<1x!tpu.dma_semaphore, #tpu.memory_space<semaphore_mem>> -> memref<!tpu.dma_semaphore, #tpu.memory_space<semaphore_mem>>
    tpu.wait_indirect_dma semaphore(%dma_wait3A_289 : memref<!tpu.dma_semaphore, #tpu.memory_space<semaphore_mem>>) src(%dma_wait3A_287 : memref<50000x128xf32, #tpu.memory_space<hbm>>) dst(%dma_wait3A_283 : memref<128x128xf32, #tpu.memory_space<vmem>>)
    %sub3A_290 = arith.constant 128 : i32
    %sub3A_291 = arith.subi %sub3A_51, %sub3A_290 : i32
    %min3A_292 = arith.constant 5888 : i32
    %min3A_293 = arith.minsi %min3A_292, %sub3A_291 : i32
    %multiple_of3A_294 = tpu.assume_multiple %min3A_293, 8 : i32
    %add3A_295 = arith.addi %mul3A_20, %multiple_of3A_294 : i32
    %multiple_of3A_296 = tpu.assume_multiple %add3A_295, 8 : i32
    %run_scoped3A_297 = arith.constant 4 : i32
    "tpu.region"() ({
      %run_scoped3A_348 = tpu.sem_alloc : memref<!tpu.dma_semaphore, #tpu.memory_space<semaphore_mem>>
      %dma_start3A_349 = arith.constant 0 : i32
      %dma_start3A_350 = arith.constant 0 : i32
      %dma_start3A_351 = tpu.memref_slice %arg6[%run_scoped3A_297, %dma_start3A_349, %dma_start3A_350] : memref<7x128x128xf32, #tpu.memory_space<vmem>> -> memref<1x128x128xf32, #tpu.memory_space<vmem>>
      %dma_start3A_352 = tpu.memref_squeeze %dma_start3A_351 : memref<1x128x128xf32, #tpu.memory_space<vmem>> -> memref<128x128xf32, #tpu.memory_space<vmem>>
      %dma_start3A_353 = arith.constant 0 : i32
      %dma_start3A_354 = tpu.memref_slice %arg4[%multiple_of3A_296, %dma_start3A_353] : memref<200000x128xf32, #tpu.memory_space<hbm>> -> memref<128x128xf32, #tpu.memory_space<hbm>>
      %dma_start3A_355 = arith.constant 0 : i32
      %dma_start3A_356 = tpu.memref_slice %arg4[%multiple_of3A_296, %dma_start3A_355] : memref<200000x128xf32, #tpu.memory_space<hbm>> -> memref<128x128xf32, #tpu.memory_space<hbm>>
      %dma_start3A_357 = arith.constant 0 : i32
      %dma_start3A_358 = arith.constant 0 : i32
      %dma_start3A_359 = tpu.memref_slice %arg6[%run_scoped3A_297, %dma_start3A_357, %dma_start3A_358] : memref<7x128x128xf32, #tpu.memory_space<vmem>> -> memref<1x128x128xf32, #tpu.memory_space<vmem>>
      %dma_start3A_360 = tpu.memref_squeeze %dma_start3A_359 : memref<1x128x128xf32, #tpu.memory_space<vmem>> -> memref<128x128xf32, #tpu.memory_space<vmem>>
      tpu.enqueue_dma source(%dma_start3A_360 : memref<128x128xf32, #tpu.memory_space<vmem>>) target(%dma_start3A_356 : memref<128x128xf32, #tpu.memory_space<hbm>>) target_semaphore(%run_scoped3A_348 : memref<!tpu.dma_semaphore, #tpu.memory_space<semaphore_mem>>)
      %dma_wait3A_361 = arith.constant 0 : i32
      %dma_wait3A_362 = arith.constant 0 : i32
      %dma_wait3A_363 = tpu.memref_slice %arg6[%run_scoped3A_297, %dma_wait3A_361, %dma_wait3A_362] : memref<7x128x128xf32, #tpu.memory_space<vmem>> -> memref<1x128x128xf32, #tpu.memory_space<vmem>>
      %dma_wait3A_364 = tpu.memref_squeeze %dma_wait3A_363 : memref<1x128x128xf32, #tpu.memory_space<vmem>> -> memref<128x128xf32, #tpu.memory_space<vmem>>
      %dma_wait3A_365 = arith.constant 0 : i32
      %dma_wait3A_366 = tpu.memref_slice %arg4[%multiple_of3A_296, %dma_wait3A_365] : memref<200000x128xf32, #tpu.memory_space<hbm>> -> memref<128x128xf32, #tpu.memory_space<hbm>>
      %dma_wait3A_367 = arith.constant 0 : i32
      %dma_wait3A_368 = tpu.memref_slice %arg4[%multiple_of3A_296, %dma_wait3A_367] : memref<200000x128xf32, #tpu.memory_space<hbm>> -> memref<128x128xf32, #tpu.memory_space<hbm>>
      %dma_wait3A_369 = arith.constant 0 : i32
      %dma_wait3A_370 = arith.constant 0 : i32
      %dma_wait3A_371 = tpu.memref_slice %arg6[%run_scoped3A_297, %dma_wait3A_369, %dma_wait3A_370] : memref<7x128x128xf32, #tpu.memory_space<vmem>> -> memref<1x128x128xf32, #tpu.memory_space<vmem>>
      %dma_wait3A_372 = tpu.memref_squeeze %dma_wait3A_371 : memref<1x128x128xf32, #tpu.memory_space<vmem>> -> memref<128x128xf32, #tpu.memory_space<vmem>>
      tpu.wait_dma2 semaphore(%run_scoped3A_348 : memref<!tpu.dma_semaphore, #tpu.memory_space<semaphore_mem>>) src(%dma_wait3A_372 : memref<128x128xf32, #tpu.memory_space<vmem>>) dst(%dma_wait3A_368 : memref<128x128xf32, #tpu.memory_space<hbm>>)
      tpu.yield
    }) : () -> ()
    %sub3A_298 = arith.constant 128 : i32
    %sub3A_299 = arith.subi %sub3A_51, %sub3A_298 : i32
    %min3A_300 = arith.constant 6016 : i32
    %min3A_301 = arith.minsi %min3A_300, %sub3A_299 : i32
    %multiple_of3A_302 = tpu.assume_multiple %min3A_301, 8 : i32
    %dma_wait3A_303 = arith.constant 5 : i32
    %dma_wait3A_304 = arith.constant 5 : i32
    %dma_wait3A_305 = arith.constant 0 : i32
    %dma_wait3A_306 = arith.constant 0 : i32
    %dma_wait3A_307 = tpu.memref_slice %arg6[%dma_wait3A_303, %dma_wait3A_305, %dma_wait3A_306] : memref<7x128x128xf32, #tpu.memory_space<vmem>> -> memref<1x128x128xf32, #tpu.memory_space<vmem>>
    %dma_wait3A_308 = tpu.memref_squeeze %dma_wait3A_307 : memref<1x128x128xf32, #tpu.memory_space<vmem>> -> memref<128x128xf32, #tpu.memory_space<vmem>>
    %dma_wait3A_309 = tpu.memref_slice %arg5[%multiple_of3A_302] : memref<6256xi32, #tpu.memory_space<vmem>> -> memref<128xi32, #tpu.memory_space<vmem>>
    %dma_wait3A_310 = arith.constant 0 : i32
    %dma_wait3A_311 = arith.constant 0 : i32
    %dma_wait3A_312 = tpu.memref_slice %arg2[%dma_wait3A_310, %dma_wait3A_311] : memref<50000x128xf32, #tpu.memory_space<hbm>> -> memref<50000x128xf32, #tpu.memory_space<hbm>>
    %dma_wait3A_313 = tpu.memref_slice %arg7[%dma_wait3A_304] : memref<7x!tpu.dma_semaphore, #tpu.memory_space<semaphore_mem>> -> memref<1x!tpu.dma_semaphore, #tpu.memory_space<semaphore_mem>>
    %dma_wait3A_314 = tpu.memref_squeeze %dma_wait3A_313 : memref<1x!tpu.dma_semaphore, #tpu.memory_space<semaphore_mem>> -> memref<!tpu.dma_semaphore, #tpu.memory_space<semaphore_mem>>
    tpu.wait_indirect_dma semaphore(%dma_wait3A_314 : memref<!tpu.dma_semaphore, #tpu.memory_space<semaphore_mem>>) src(%dma_wait3A_312 : memref<50000x128xf32, #tpu.memory_space<hbm>>) dst(%dma_wait3A_308 : memref<128x128xf32, #tpu.memory_space<vmem>>)
    %sub3A_315 = arith.constant 128 : i32
    %sub3A_316 = arith.subi %sub3A_51, %sub3A_315 : i32
    %min3A_317 = arith.constant 6016 : i32
    %min3A_318 = arith.minsi %min3A_317, %sub3A_316 : i32
    %multiple_of3A_319 = tpu.assume_multiple %min3A_318, 8 : i32
    %add3A_320 = arith.addi %mul3A_20, %multiple_of3A_319 : i32
    %multiple_of3A_321 = tpu.assume_multiple %add3A_320, 8 : i32
    %run_scoped3A_322 = arith.constant 5 : i32
    "tpu.region"() ({
      %run_scoped3A_348 = tpu.sem_alloc : memref<!tpu.dma_semaphore, #tpu.memory_space<semaphore_mem>>
      %dma_start3A_349 = arith.constant 0 : i32
      %dma_start3A_350 = arith.constant 0 : i32
      %dma_start3A_351 = tpu.memref_slice %arg6[%run_scoped3A_322, %dma_start3A_349, %dma_start3A_350] : memref<7x128x128xf32, #tpu.memory_space<vmem>> -> memref<1x128x128xf32, #tpu.memory_space<vmem>>
      %dma_start3A_352 = tpu.memref_squeeze %dma_start3A_351 : memref<1x128x128xf32, #tpu.memory_space<vmem>> -> memref<128x128xf32, #tpu.memory_space<vmem>>
      %dma_start3A_353 = arith.constant 0 : i32
      %dma_start3A_354 = tpu.memref_slice %arg4[%multiple_of3A_321, %dma_start3A_353] : memref<200000x128xf32, #tpu.memory_space<hbm>> -> memref<128x128xf32, #tpu.memory_space<hbm>>
      %dma_start3A_355 = arith.constant 0 : i32
      %dma_start3A_356 = tpu.memref_slice %arg4[%multiple_of3A_321, %dma_start3A_355] : memref<200000x128xf32, #tpu.memory_space<hbm>> -> memref<128x128xf32, #tpu.memory_space<hbm>>
      %dma_start3A_357 = arith.constant 0 : i32
      %dma_start3A_358 = arith.constant 0 : i32
      %dma_start3A_359 = tpu.memref_slice %arg6[%run_scoped3A_322, %dma_start3A_357, %dma_start3A_358] : memref<7x128x128xf32, #tpu.memory_space<vmem>> -> memref<1x128x128xf32, #tpu.memory_space<vmem>>
      %dma_start3A_360 = tpu.memref_squeeze %dma_start3A_359 : memref<1x128x128xf32, #tpu.memory_space<vmem>> -> memref<128x128xf32, #tpu.memory_space<vmem>>
      tpu.enqueue_dma source(%dma_start3A_360 : memref<128x128xf32, #tpu.memory_space<vmem>>) target(%dma_start3A_356 : memref<128x128xf32, #tpu.memory_space<hbm>>) target_semaphore(%run_scoped3A_348 : memref<!tpu.dma_semaphore, #tpu.memory_space<semaphore_mem>>)
      %dma_wait3A_361 = arith.constant 0 : i32
      %dma_wait3A_362 = arith.constant 0 : i32
      %dma_wait3A_363 = tpu.memref_slice %arg6[%run_scoped3A_322, %dma_wait3A_361, %dma_wait3A_362] : memref<7x128x128xf32, #tpu.memory_space<vmem>> -> memref<1x128x128xf32, #tpu.memory_space<vmem>>
      %dma_wait3A_364 = tpu.memref_squeeze %dma_wait3A_363 : memref<1x128x128xf32, #tpu.memory_space<vmem>> -> memref<128x128xf32, #tpu.memory_space<vmem>>
      %dma_wait3A_365 = arith.constant 0 : i32
      %dma_wait3A_366 = tpu.memref_slice %arg4[%multiple_of3A_321, %dma_wait3A_365] : memref<200000x128xf32, #tpu.memory_space<hbm>> -> memref<128x128xf32, #tpu.memory_space<hbm>>
      %dma_wait3A_367 = arith.constant 0 : i32
      %dma_wait3A_368 = tpu.memref_slice %arg4[%multiple_of3A_321, %dma_wait3A_367] : memref<200000x128xf32, #tpu.memory_space<hbm>> -> memref<128x128xf32, #tpu.memory_space<hbm>>
      %dma_wait3A_369 = arith.constant 0 : i32
      %dma_wait3A_370 = arith.constant 0 : i32
      %dma_wait3A_371 = tpu.memref_slice %arg6[%run_scoped3A_322, %dma_wait3A_369, %dma_wait3A_370] : memref<7x128x128xf32, #tpu.memory_space<vmem>> -> memref<1x128x128xf32, #tpu.memory_space<vmem>>
      %dma_wait3A_372 = tpu.memref_squeeze %dma_wait3A_371 : memref<1x128x128xf32, #tpu.memory_space<vmem>> -> memref<128x128xf32, #tpu.memory_space<vmem>>
      tpu.wait_dma2 semaphore(%run_scoped3A_348 : memref<!tpu.dma_semaphore, #tpu.memory_space<semaphore_mem>>) src(%dma_wait3A_372 : memref<128x128xf32, #tpu.memory_space<vmem>>) dst(%dma_wait3A_368 : memref<128x128xf32, #tpu.memory_space<hbm>>)
      tpu.yield
    }) : () -> ()
    %sub3A_323 = arith.constant 128 : i32
    %sub3A_324 = arith.subi %sub3A_51, %sub3A_323 : i32
    %min3A_325 = arith.constant 6144 : i32
    %min3A_326 = arith.minsi %min3A_325, %sub3A_324 : i32
    %multiple_of3A_327 = tpu.assume_multiple %min3A_326, 8 : i32
    %dma_wait3A_328 = arith.constant 6 : i32
    %dma_wait3A_329 = arith.constant 6 : i32
    %dma_wait3A_330 = arith.constant 0 : i32
    %dma_wait3A_331 = arith.constant 0 : i32
    %dma_wait3A_332 = tpu.memref_slice %arg6[%dma_wait3A_328, %dma_wait3A_330, %dma_wait3A_331] : memref<7x128x128xf32, #tpu.memory_space<vmem>> -> memref<1x128x128xf32, #tpu.memory_space<vmem>>
    %dma_wait3A_333 = tpu.memref_squeeze %dma_wait3A_332 : memref<1x128x128xf32, #tpu.memory_space<vmem>> -> memref<128x128xf32, #tpu.memory_space<vmem>>
    %dma_wait3A_334 = tpu.memref_slice %arg5[%multiple_of3A_327] : memref<6256xi32, #tpu.memory_space<vmem>> -> memref<128xi32, #tpu.memory_space<vmem>>
    %dma_wait3A_335 = arith.constant 0 : i32
    %dma_wait3A_336 = arith.constant 0 : i32
    %dma_wait3A_337 = tpu.memref_slice %arg2[%dma_wait3A_335, %dma_wait3A_336] : memref<50000x128xf32, #tpu.memory_space<hbm>> -> memref<50000x128xf32, #tpu.memory_space<hbm>>
    %dma_wait3A_338 = tpu.memref_slice %arg7[%dma_wait3A_329] : memref<7x!tpu.dma_semaphore, #tpu.memory_space<semaphore_mem>> -> memref<1x!tpu.dma_semaphore, #tpu.memory_space<semaphore_mem>>
    %dma_wait3A_339 = tpu.memref_squeeze %dma_wait3A_338 : memref<1x!tpu.dma_semaphore, #tpu.memory_space<semaphore_mem>> -> memref<!tpu.dma_semaphore, #tpu.memory_space<semaphore_mem>>
    tpu.wait_indirect_dma semaphore(%dma_wait3A_339 : memref<!tpu.dma_semaphore, #tpu.memory_space<semaphore_mem>>) src(%dma_wait3A_337 : memref<50000x128xf32, #tpu.memory_space<hbm>>) dst(%dma_wait3A_333 : memref<128x128xf32, #tpu.memory_space<vmem>>)
    %sub3A_340 = arith.constant 128 : i32
    %sub3A_341 = arith.subi %sub3A_51, %sub3A_340 : i32
    %min3A_342 = arith.constant 6144 : i32
    %min3A_343 = arith.minsi %min3A_342, %sub3A_341 : i32
    %multiple_of3A_344 = tpu.assume_multiple %min3A_343, 8 : i32
    %add3A_345 = arith.addi %mul3A_20, %multiple_of3A_344 : i32
    %multiple_of3A_346 = tpu.assume_multiple %add3A_345, 8 : i32
    %run_scoped3A_347 = arith.constant 6 : i32
    "tpu.region"() ({
      %run_scoped3A_348 = tpu.sem_alloc : memref<!tpu.dma_semaphore, #tpu.memory_space<semaphore_mem>>
      %dma_start3A_349 = arith.constant 0 : i32
      %dma_start3A_350 = arith.constant 0 : i32
      %dma_start3A_351 = tpu.memref_slice %arg6[%run_scoped3A_347, %dma_start3A_349, %dma_start3A_350] : memref<7x128x128xf32, #tpu.memory_space<vmem>> -> memref<1x128x128xf32, #tpu.memory_space<vmem>>
      %dma_start3A_352 = tpu.memref_squeeze %dma_start3A_351 : memref<1x128x128xf32, #tpu.memory_space<vmem>> -> memref<128x128xf32, #tpu.memory_space<vmem>>
      %dma_start3A_353 = arith.constant 0 : i32
      %dma_start3A_354 = tpu.memref_slice %arg4[%multiple_of3A_346, %dma_start3A_353] : memref<200000x128xf32, #tpu.memory_space<hbm>> -> memref<128x128xf32, #tpu.memory_space<hbm>>
      %dma_start3A_355 = arith.constant 0 : i32
      %dma_start3A_356 = tpu.memref_slice %arg4[%multiple_of3A_346, %dma_start3A_355] : memref<200000x128xf32, #tpu.memory_space<hbm>> -> memref<128x128xf32, #tpu.memory_space<hbm>>
      %dma_start3A_357 = arith.constant 0 : i32
      %dma_start3A_358 = arith.constant 0 : i32
      %dma_start3A_359 = tpu.memref_slice %arg6[%run_scoped3A_347, %dma_start3A_357, %dma_start3A_358] : memref<7x128x128xf32, #tpu.memory_space<vmem>> -> memref<1x128x128xf32, #tpu.memory_space<vmem>>
      %dma_start3A_360 = tpu.memref_squeeze %dma_start3A_359 : memref<1x128x128xf32, #tpu.memory_space<vmem>> -> memref<128x128xf32, #tpu.memory_space<vmem>>
      tpu.enqueue_dma source(%dma_start3A_360 : memref<128x128xf32, #tpu.memory_space<vmem>>) target(%dma_start3A_356 : memref<128x128xf32, #tpu.memory_space<hbm>>) target_semaphore(%run_scoped3A_348 : memref<!tpu.dma_semaphore, #tpu.memory_space<semaphore_mem>>)
      %dma_wait3A_361 = arith.constant 0 : i32
      %dma_wait3A_362 = arith.constant 0 : i32
      %dma_wait3A_363 = tpu.memref_slice %arg6[%run_scoped3A_347, %dma_wait3A_361, %dma_wait3A_362] : memref<7x128x128xf32, #tpu.memory_space<vmem>> -> memref<1x128x128xf32, #tpu.memory_space<vmem>>
      %dma_wait3A_364 = tpu.memref_squeeze %dma_wait3A_363 : memref<1x128x128xf32, #tpu.memory_space<vmem>> -> memref<128x128xf32, #tpu.memory_space<vmem>>
      %dma_wait3A_365 = arith.constant 0 : i32
      %dma_wait3A_366 = tpu.memref_slice %arg4[%multiple_of3A_346, %dma_wait3A_365] : memref<200000x128xf32, #tpu.memory_space<hbm>> -> memref<128x128xf32, #tpu.memory_space<hbm>>
      %dma_wait3A_367 = arith.constant 0 : i32
      %dma_wait3A_368 = tpu.memref_slice %arg4[%multiple_of3A_346, %dma_wait3A_367] : memref<200000x128xf32, #tpu.memory_space<hbm>> -> memref<128x128xf32, #tpu.memory_space<hbm>>
      %dma_wait3A_369 = arith.constant 0 : i32
      %dma_wait3A_370 = arith.constant 0 : i32
      %dma_wait3A_371 = tpu.memref_slice %arg6[%run_scoped3A_347, %dma_wait3A_369, %dma_wait3A_370] : memref<7x128x128xf32, #tpu.memory_space<vmem>> -> memref<1x128x128xf32, #tpu.memory_space<vmem>>
      %dma_wait3A_372 = tpu.memref_squeeze %dma_wait3A_371 : memref<1x128x128xf32, #tpu.memory_space<vmem>> -> memref<128x128xf32, #tpu.memory_space<vmem>>
      tpu.wait_dma2 semaphore(%run_scoped3A_348 : memref<!tpu.dma_semaphore, #tpu.memory_space<semaphore_mem>>) src(%dma_wait3A_372 : memref<128x128xf32, #tpu.memory_space<vmem>>) dst(%dma_wait3A_368 : memref<128x128xf32, #tpu.memory_space<hbm>>)
      tpu.yield
    }) : () -> ()
    return
  }
}

</mosaic_0001>

<sc_bundles>
// kernel: kernel.3.cloned.1.call-start
scs
__scs_entry_jumppad:
0x0: {  	(pc) =	sbr.rel $0x88, $3  }
0x1: {  	(tag) =	ssettag $0x0;
	lr =	simm.s32 $0x1  }
0x2: {  	[smem:$0x3F9F] =	sst lr;
	_ =	strace $0xD0000000  }
0x3: {  	_ = 	snop  }
0x4: {  	_ = 	snop  }
0x5: {  	_ = 	snop  }
0x6: {  	_ = 	snop  }
0x7: {  	_ = 	snop  }
__scs_overlays_trampoline_lowered:
0x8: {  	[smem:$0x3FAE] =	sst s0  }
0x9: {  	[smem:$0x3FAF] =	sst s1  }
0xa: {  	[smem:$0x3FB0] =	sst s2  }
0xb: {  	[smem:$0x3FB1] =	sst s3  }
0xc: {  	[smem:$0x3FB2] =	sst s4  }
0xd: {  	[smem:$0x3FB3] =	sst s5  }
0xe: {  	[smem:$0x3FB4] =	sst s6  }
0xf: {  	[smem:$0x3FB5] =	sst s7  }
0x10: {  	[smem:$0x3FB6] =	sst s8  }
0x11: {  	[smem:$0x3FB7] =	sst s9;
	s0 =	simm.s32 @!p0 $0x0  }
0x12: {  	s1 =	sld [smem:$0x3F9D];
	s0 =	simm.s32 @p0 $0x1  }
0x13: {  	[smem:$0x3FB8] =	sst s0;
	s0 =	simm.s32 @!p1 $0x0  }
0x14: {  	s2 =	sld [smem:$0x3F9C];
	s0 =	simm.s32 @p1 $0x1  }
0x15: {  	[smem:$0x3FB9] =	sst s0;
	s0 =	simm.s32 @!p2 $0x0  }
0x16: {  	s3 =	sld [smem:$0x3FDB];
	s0 =	simm.s32 @p2 $0x1  }
0x17: {  	s4 =	simm.s32 $0x1BF5;
	[smem:$0x3FBB] =	sst s0  }
0x18: {  	s0 =	sld [smem:$0x3F9E];
	_ =	swait.ge [sflag:s4], $0x0  }
0x19: {  	s7 =	sld [smem:$0x3F9F]  }
0x1a: {  	s8 =	sadd.s32 $0xFFFFE003, lr  }
0x1b: {  	s9 =	sadd.s32 $0xFFFFFEF7, lr;
	s5 =	simm.s32 $0xFFFFFFFF;
	p2 =	slt.u32 s8, $0xFFFFF086  }
0x1c: {  	p1 =	slt.u32 s9, $0xF7A;
	s5 =	simm.s32 @!p2 $0x0  }
0x1d: {  	s5 =	simm.s32 @p1 $0x1;
	p0 =	seq.s32 s7, s2  }
0x1e: {  	s7 =	smul.u32 @!p0 $0xF7A, s2;
	p2 =	seq.s32 @!p0 s5, $0x0  }
0x1f: {  	s9 =	smul.u32 $0xF7A, s1;
	s8 =	simm.s32 @!p0 $0x1BF5;
	p2 =	por !p2, p0  }
0x20: {  	[sflag:s8] =	ssyncset.s32 @!p0 $0xFFFFF086;
	s6 =	sadd.s32 @!p0 s3, s7;
	s7 =	simm.s32 @!p0 $0x108  }
0x21: {  	s3 =	sadd.s32 s3, s9;
	s6 =	sadd.s32 @!p0 $0x88, s6;
	s7 =	simm.s32 @p2 $0x1082  }
0x22: {  	[simem:s7], [sflag:s8] =	dma.local @!p0 [hbm:s6], $0xF7A  }
0x23: {  	s9 =	sor.u32 $0xD0000000, s2;
	s6 =	simm.s32 $0x108;
	_ =	swait.ge @!p0 [sflag:s8], $0x0  }
0x24: {  	s3 =	sadd.s32 $0x88, s3;
	s6 =	simm.s32 @!p1 $0x1082;
	[sflag:s4] =	ssyncset.s32 $0xFFFFF086  }
0x25: {  	[simem:s6], [sflag:s4] =	dma.local [hbm:s3], $0xF7A  }
0x26: {  	[smem:$0x3F9F] =	sst s1;
	(tag) =	ssettag s2;
	_ =	strace s9  }
0x27: {  	s1 =	sld [smem:$0x3FAF]  }
0x28: {  	s2 =	sld [smem:$0x3FB0]  }
0x29: {  	s4 =	sld [smem:$0x3FB2]  }
0x2a: {  	p0 =	seq.s32 s5, $0x0;
	s5 =	sld [smem:$0x3FB3]  }
0x2b: {  	s6 =	sld [smem:$0x3FB4]  }
0x2c: {  	s7 =	sld [smem:$0x3FB5]  }
0x2d: {  	s3 =	simm.s32 $0x108;
	s8 =	sld [smem:$0x3FB6]  }
0x2e: {  	s3 =	simm.s32 @!p0 $0x1082;
	s9 =	sld [smem:$0x3FB7]  }
0x2f: {  	lr =	sadd.s32 s0, s3;
	s0 =	sld [smem:$0x3FAE]  }
0x30: {  	s3 =	sld [smem:$0x3FB1]  }
0x31: {  	[smem:$0x3FBA] =	sst s10  }
0x32: {  	s10 =	sld [smem:$0x3FB8];
	_ =	sdelay $0x3  }
0x33: {  	p0 =	seq.s32 s10, $0x1;
	s10 =	sld [smem:$0x3FBA];
	_ =	sdelay $0x3  }
0x34: {  	[smem:$0x3FBA] =	sst s10  }
0x35: {  	s10 =	sld [smem:$0x3FB9];
	_ =	sdelay $0x3  }
0x36: {  	p1 =	seq.s32 s10, $0x1;
	s10 =	sld [smem:$0x3FBA];
	_ =	sdelay $0x3  }
0x37: {  	[smem:$0x3FBA] =	sst s10  }
0x38: {  	s10 =	sld [smem:$0x3FBB]  }
0x39: {  	_ = 	snop;
	(pc) =	sbr.ind lr, $3  }
0x3a: {  	_ = 	snop  }
0x3b: {  	_ = 	snop  }
0x3c: {  	p2 =	seq.s32 s10, $0x1;
	s10 =	sld [smem:$0x3FBA]  }
0x3d: {  	_ =	shalt  }
0x3e: {  	_ =	shalt  }
0x3f: {  	_ =	shalt  }
0x40: {  	_ =	shalt  }
0x41: {  	_ =	shalt  }
0x42: {  	_ =	shalt  }
0x43: {  	_ =	shalt  }
0x44: {  	_ =	shalt  }
0x45: {  	_ =	shalt  }
0x46: {  	_ =	shalt  }
0x47: {  	_ =	shalt  }
0x48: {  	_ =	shalt  }
0x49: {  	_ =	shalt  }
0x4a: {  	_ =	shalt  }
0x4b: {  	_ =	shalt  }
0x4c: {  	_ =	shalt  }
0x4d: {  	_ =	shalt  }
0x4e: {  	_ =	shalt  }
0x4f: {  	_ =	shalt  }
0x50: {  	_ =	shalt  }
0x51: {  	_ =	shalt  }
0x52: {  	_ =	shalt  }
0x53: {  	_ =	shalt  }
0x54: {  	_ =	shalt  }
0x55: {  	_ =	shalt  }
0x56: {  	_ =	shalt  }
0x57: {  	_ =	shalt  }
0x58: {  	_ =	shalt  }
0x59: {  	_ =	shalt  }
0x5a: {  	_ =	shalt  }
0x5b: {  	_ =	shalt  }
0x5c: {  	_ =	shalt  }
0x5d: {  	_ =	shalt  }
0x5e: {  	_ =	shalt  }
0x5f: {  	_ =	shalt  }
0x60: {  	_ =	shalt  }
0x61: {  	_ =	shalt  }
0x62: {  	_ =	shalt  }
0x63: {  	_ =	shalt  }
0x64: {  	_ =	shalt  }
0x65: {  	_ =	shalt  }
0x66: {  	_ =	shalt  }
0x67: {  	_ =	shalt  }
0x68: {  	_ =	shalt  }
0x69: {  	_ =	shalt  }
0x6a: {  	_ =	shalt  }
0x6b: {  	_ =	shalt  }
0x6c: {  	_ =	shalt  }
0x6d: {  	_ =	shalt  }
0x6e: {  	_ =	shalt  }
0x6f: {  	_ =	shalt  }
0x70: {  	_ =	shalt  }
0x71: {  	_ =	shalt  }
0x72: {  	_ =	shalt  }
0x73: {  	_ =	shalt  }
0x74: {  	_ =	shalt  }
0x75: {  	_ =	shalt  }
0x76: {  	_ =	shalt  }
0x77: {  	_ =	shalt  }
0x78: {  	_ =	shalt  }
0x79: {  	_ =	shalt  }
0x7a: {  	_ =	shalt  }
0x7b: {  	_ =	shalt  }
0x7c: {  	_ =	shalt  }
0x7d: {  	_ =	shalt  }
0x7e: {  	_ =	shalt  }
0x7f: {  	_ =	shalt  }
0x80: {  	_ =	shalt  }
0x81: {  	_ =	shalt  }
0x82: {  	_ =	shalt  }
0x83: {  	_ =	shalt  }
0x84: {  	_ =	shalt  }
0x85: {  	_ =	shalt  }
0x86: {  	_ =	shalt  }
0x87: {  	_ =	shalt  }
.Lfunc_end0:
.L_simem_size_0:
called_computation_lowered:
.L_overlay_start_0:
0x88: {  	s2 =	sld [smem:$0x3FD9]  }
0x89: {  	s3 =	sld [smem:$0x3FFE];
	_ =	sdelay $0x1  }
0x8a: {  	s1 =	srdreg.scid  }
0x8b: {  	s0 =	sand.u32 $0x1, s1  }
0x8c: {  	s17 =	sshll.u32 s0, $0xA;
	s2 =	sadd.s32 s3, s2  }
0x8d: {  	s2 =	sadd.s32 s2, s17  }
0x8e: {  	[smem:$0x3FC6] =	sst s2  }
0x8f: {  	_ = 	snop  }
0x90: {  	s2 =	sld [smem:$0x3FC9]  }
0x91: {  	s18 =	sld [smem:$0x3FD0];
	(tm) =	ssettm $0x1  }
0x92: {  	s4 =	sld [smem:$0x3FFB];
	_ =	sdelay $0x3  }
0x93: {  	_ =	strace s4  }
0x94: {  	s4 =	sld [smem:$0x3FFC];
	_ =	sdelay $0x3  }
0x95: {  	_ =	strace s4  }
0x96: {  	s4 =	sld [smem:$0x3FFD];
	_ =	sdelay $0x3  }
0x97: {  	_ =	strace s4  }
0x98: {  	_ =	strace $0x8FFFFFFF  }
0x99: {  	s19 =	sld [smem:$0x3FDB];
	_ =	sdelay $0x1  }
0x9a: {  	s5 =	simm.s32 $_scs_section_size  }
0x9b: {  	s6 =	simm.s32 $_size__tile_overlayer_lowered;
	s7 =	simm.s32 $_tile_overlayer_lowered  }
0x9c: {  	s22 =	simm.s32 $0x1BFF;
	s21 =	sshll.u32 s7, $0x1;
	s4 =	sadd.s32 s5, s19  }
0x9d: {  	s8 =	simm.s32 $0x0;
	s20 =	sshll.u32 s6, $0x1;
	s6 =	sadd.s32 s21, s4  }
0x9e: {  	[timem:s8], [sflag:s22] =	dma.local [hbm:s6], s20  }
0x9f: {  	_ =	swait.ge [sflag:s22], s20  }
0xa0: {  	s5 =	ssub.s32 $0x0, s20;
	[sflag:s22] =	ssyncset.done $0x0  }
0xa1: {  	[sflag:s22] =	ssyncadd.s32 s5;
	_ =	sdelay $0x1  }
0xa2: {  	s23 =	simm.s32 $0x1B8B  }
0xa3: {  	_ =	swait.ge [sflag:s23], $0x1  }
0xa4: {  	[sflag:s23] =	ssyncset.done $0x0  }
0xa5: {  	s25 =	simm.s32 $0x1B8E;
	s24 =	sld [smem:$0x3FFE];
	[sflag:s23] =	ssyncadd.s32 $0xFFFFFFFF  }
0xa6: {  	s26 =	simm.s32 $execute0_lowered;
	[smem:$0x3FD2] =	sst s25  }
0xa7: {  	s6 =	sshll.u32 s26, $0x1;
	_ =	strace $0x80000046;
	[dreg:$0x1] =	wrdreg $0xFFFFFFFF  }
0xa8: {  	s28 =	simm.s32 $_size_execute0_lowered;
	s4 =	sadd.s32 s4, s6;
	[dreg:$0x0] =	wrdreg $0x0  }
0xa9: {  	s6 =	sshll.u32 s28, $0x1;
	[dreg:$0x2] =	wrdreg s4  }
0xaa: {  	[dreg:$0x3] =	wrdreg s6  }
0xab: {  	[dreg:$0x4] =	wrdreg $0xC0  }
0xac: {  	_ =	task [dreg:s8], $0x5FFFF  }
0xad: {  	[dreg:$0x1] =	wrdreg $0xFFFFFFFF  }
0xae: {  	[dreg:$0x0] =	wrdreg $0x60  }
0xaf: {  	[dreg:$0x2] =	wrdreg s2  }
0xb0: {  	[dreg:$0x3] =	wrdreg s24  }
0xb1: {  	[dreg:$0x4] =	wrdreg s18  }
0xb2: {  	[dreg:$0x5] =	wrdreg $0x9  }
0xb3: {  	_ =	task.clear_ibuf [dreg:s8], $0x6FFFF;
	_ =	strace $0x90000046  }
0xb4: {  	s29 =	simm.s32 $0x9;
	_ =	strace $0x80000048  }
0xb5: {  	_ =	swait.ge [sflag:s29], $0x1  }
0xb6: {  	[sflag:s29] =	ssyncadd.s32 $0xFFFFFFFF  }
0xb7: {  	_ =	strace $0x90000048  }
0xb8: {  	_ =	sfence  }
0xb9: {  	s30 =	sld [smem:$0x0];
	_ =	sdelay $0x2  }
0xba: {  	s31 =	sshll.u32 s1, $0xD;
	s1 =	sshrl.u32 s1, $0x2  }
0xbb: {  	s3 =	sand.u32 $0x4000, s31;
	s1 =	sadd.s32 s1, s30  }
0xbc: {  	s0 =	sor.u32 s3, s0;
	s1 =	sshll.u32 s1, $0x11  }
0xbd: {  	s0 =	sor.u32 s1, s0  }
0xbe: {  	s0 =	sadd.s32 $0x8F2B, s0  }
0xbf: {  	[sflag:s0] =	ssyncadd.remote.s32 $0x1  }
0xc0: {  	_ =	sfence.sel $0xFFFF  }
0xc1: {  	[dreg:$0x0] =	wrdreg $0xFFFFFFFF;
	(pc) =	sbr.abs _section_cstart, $3  }
0xc2: {  	[dreg:$0x1] =	wrdreg $0xFFFFFFFF  }
0xc3: {  	_ =	task.clear_ibuf [dreg:s8], $0x2FFFF;
	_ =	strace $0x9FFFFFFF  }
0xc4: {  	(tm) =	ssettm $0x7FFFFFFF  }
0xc5: {  	_ =	shalt  }
tec
execute0_lowered:
.L_overlay_start_1:
0x0: {  	(tag) =	ssettag $0x1  }
0x1: {  	s0 =	srdreg.scid;
	s1 =	stileid.u32  }
0x2: {  	s6 =	rddreg [dreg:$0x1];
	s2 =	sand.u32 $0x1, s0;
	s9 =	sshll.u32 s1, $0x1  }
0x3: {  	s4 =	simm.s32 $0x0;
	s28 =	simm.s32 $0x5880;
	s0 =	sor.u32 s2, s9  }
0x4: {  	s29 =	simm.s32 $0x9880;
	s30 =	simm.s32 $0xD880;
	s0 =	smul.u32 $0x61A8, s0  }
0x5: {  	s31 =	simm.s32 $0x11880;
	s1 =	rddreg [dreg:$0x0];
	s2 =	ssub.s32 $0x2, s2  }
0x6: {  	[smem:$0x7FF] =	sst s4;
	s8 =	sshrl.u32 s2, $0x1;
	s3 =	sadd.s32 $0x61A8, s0  }
0x7: {  	s2 =	ssub.s32 s2, s8;
	s7 =	sshrl.u32 s0, $0x5;
	s10 =	sshrl.u32 s3, $0x5  }
0x8: {  	s2 =	smax.u32 s2, $0x1;
	s3 =	rddreg [dreg:$0x2];
	s0 =	ssub.s32 s10, s7  }
0x9: {  	_ =	strace $0x80000047;
	s9 =	sshll.u32 s7, $0x3;
	s5 =	sshll.u32 s0, $0x3  }
0xa: {  	s6 =	sadd.s32 s6, s7;
	[dreg:$0x14] =	wrdreg s2;
	s12 =	sadd.s32 $0xFFFFFF80, s5  }
0xb: {  	s2 =	simm.s32 $0x15880;
	p0 =	slt.s32 s12, $0x80;
	s5 =	smov.u32 s12  }
0xc: {  	[dreg:$0x8] =	wrdreg s6;
	s6 =	sadd.s32 $0x30D, s6;
	s5 =	simm.s32 @!p0 $0x80  }
0xd: {  	p0 =	slt.s32 s12, $0x100;
	[dreg:$0x4] =	wrdreg s5;
	s5 =	smov.u32 s12  }
0xe: {  	[dreg:$0xa] =	wrdreg s6;
	s11 =	sshra.s32 s12, $0x1F;
	s5 =	simm.s32 @!p0 $0x100  }
0xf: {  	p0 =	slt.s32 s12, $0x180;
	[dreg:$0x5] =	wrdreg s5;
	s5 =	smov.u32 s12  }
0x10: {  	s7 =	smov.u32 s12;
	s6 =	smov.u32 s12;
	s5 =	simm.s32 @!p0 $0x180  }
0x11: {  	p0 =	slt.s32 s12, $0x200;
	[dreg:$0x6] =	wrdreg s5;
	s5 =	smov.u32 s12  }
0x12: {  	s8 =	smov.u32 s12;
	s10 =	smov.u32 s12;
	s5 =	simm.s32 @!p0 $0x200  }
0x13: {  	p0 =	slt.s32 s12, $0x280;
	[dreg:$0x7] =	wrdreg s5;
	s5 =	smov.u32 s12  }
0x14: {  	s13 =	sand.u32 s11, s12;
	s11 =	simm.s32 $0x3;
	s5 =	simm.s32 @!p0 $0x280  }
0x15: {  	p0 =	slt.s32 s12, $0x300;
	[dreg:$0x9] =	wrdreg s5;
	s5 =	smov.u32 s12  }
0x16: {  	[dreg:$0xc] =	wrdreg s13;
	s5 =	simm.s32 @!p0 $0x300;
	p0 =	slt.s32 s12, $0x1500  }
0x17: {  	s13 =	simm.s32 $0x1;
	s7 =	simm.s32 @!p0 $0x1500;
	p0 =	slt.s32 s12, $0x1580  }
0x18: {  	[dreg:$0xb] =	wrdreg s5;
	s7 =	sadd.s32 s9, s7;
	s6 =	simm.s32 @!p0 $0x1580  }
0x19: {  	p0 =	slt.s32 s12, $0x1600;
	s7 =	sshll.u32 s7, $0x4;
	s6 =	sadd.s32 s9, s6  }
0x1a: {  	s8 =	simm.s32 @!p0 $0x1600;
	p0 =	slt.s32 s12, $0x1680;
	s14 =	sadd.s32 s3, s7  }
0x1b: {  	s6 =	sshll.u32 s6, $0x4;
	s15 =	sadd.s32 s9, s8;
	s7 =	smov.u32 s12  }
0x1c: {  	s8 =	smov.u32 s12;
	[dreg:$0xd] =	wrdreg s14;
	s16 =	sadd.s32 s3, s6  }
0x1d: {  	s17 =	sshll.u32 s15, $0x4;
	s7 =	simm.s32 @!p0 $0x1680;
	p0 =	slt.s32 s12, $0x1700  }
0x1e: {  	s6 =	smov.u32 s12;
	s15 =	simm.s32 $0x2;
	[dreg:$0xe] =	wrdreg s16  }
0x1f: {  	s18 =	sadd.s32 s3, s17;
	s7 =	sadd.s32 s9, s7;
	s6 =	simm.s32 @!p0 $0x1700  }
0x20: {  	p0 =	slt.s32 s12, $0x1780;
	s16 =	simm.s32 $0x4;
	s17 =	simm.s32 $0x5  }
0x21: {  	[dreg:$0xf] =	wrdreg s18;
	s7 =	sshll.u32 s7, $0x4;
	s8 =	simm.s32 @!p0 $0x1780  }
0x22: {  	p0 =	slt.s32 s12, $0x1800;
	s6 =	sadd.s32 s9, s6;
	s18 =	simm.s32 $0x6  }
0x23: {  	s19 =	sadd.s32 s3, s7;
	s10 =	simm.s32 @!p0 $0x1800;
	s6 =	sshll.u32 s6, $0x4  }
0x24: {  	s20 =	sadd.s32 s9, s8;
	p0 =	slt.s32 s0, $0x30E;
	s0 =	simm.s32 $0x19880  }
0x25: {  	s7 =	simm.s32 $0x0;
	[dreg:$0x10] =	wrdreg s19;
	s21 =	sadd.s32 s9, s10  }
0x26: {  	s22 =	sadd.s32 s3, s6;
	s23 =	sshll.u32 s20, $0x4;
	s6 =	simm.s32 $0x7  }
0x27: {  	[dreg:$0x11] =	wrdreg s22;
	s24 =	sshll.u32 s21, $0x4;
	s25 =	sadd.s32 s3, s23  }
0x28: {  	[dreg:$0x12] =	wrdreg s25;
	s26 =	sadd.s32 s3, s24;
	s24 =	simm.s32 $0x8  }
0x29: {  	s25 =	simm.s32 $0x80;
	[dreg:$0x13] =	wrdreg s26;
	s26 =	simm.s32 $0x1880  }
.LBB2_1:
0x2a: {  	[dreg:$0x15] =	wrdreg s7  }
0x2b: {  	s5 =	rddreg [dreg:$0x8]  }
0x2c: {  	[tilespmem:s4], [sflag:$0x8] =	stream.linear.gather [hbm4b:s5+s4], $0x1868, $0x38;
	[tilespmem:$0x1D880] =	vst v63  }
0x2d: {  	_ =	swait.ge [sflag:s24], $0x1868  }
0x2e: {  	s8 =	simm.s32 @!p0 $0x0;
	[sflag:s24] =	ssyncset.done $0x0  }
0x2f: {  	s10 =	simm.s32 @!p0 $0x1868;
	s5 =	rddreg [dreg:$0xa];
	[sflag:s24] =	ssyncadd.s32 $0xFFFFE798  }
0x30: {  	[tilespmem:s10], [sflag:$0x8] =	stream.linear.gather @!p0 [hbm4b:s5+s8], $0x8, $0x38;
	[tilespmem:$0x1D880] =	vst v63  }
0x31: {  	s8 =	simm.s32 @!p0 $0x8  }
0x32: {  	_ =	swait.ge @!p0 [sflag:s8], $0x8  }
0x33: {  	[sflag:s8] =	ssyncset.done @!p0 $0x0  }
0x34: {  	s10 =	rddreg [dreg:$0xc];
	[sflag:s8] =	ssyncadd.s32 @!p0 $0xFFFFFFF8  }
0x35: {  	[tilespmem:s26], [sflag:$0x1] =	stream.indirect.gather [hbm4b:s1+s25], $0x80, s10, s25, $0xb8;
	[tilespmem:$0x1D880] =	vst v63  }
0x36: {  	s14 =	rddreg [dreg:$0x4]  }
0x37: {  	[tilespmem:s28], [sflag:$0x2] =	stream.indirect.gather [hbm4b:s1+s25], $0x80, s14, s25, $0xb8;
	[tilespmem:$0x1D880] =	vst v63  }
0x38: {  	s19 =	rddreg [dreg:$0x5]  }
0x39: {  	[tilespmem:s29], [sflag:$0x3] =	stream.indirect.gather [hbm4b:s1+s25], $0x80, s19, s25, $0xb8;
	[tilespmem:$0x1D880] =	vst v63  }
0x3a: {  	p1 =	sgt.s32 s12, $0x0;
	p2 =	sgt.s32 s12, $0x380;
	s20 =	rddreg [dreg:$0x6]  }
0x3b: {  	[tilespmem:s30], [sflag:$0x4] =	stream.indirect.gather [hbm4b:s1+s25], $0x80, s20, s25, $0xb8;
	[tilespmem:$0x1D880] =	vst v63  }
0x3c: {  	s7 =	simm.s32 $0x600;
	s5 =	smov.u32 s12;
	s21 =	rddreg [dreg:$0x7]  }
0x3d: {  	[tilespmem:s31], [sflag:$0x5] =	stream.indirect.gather [hbm4b:s1+s25], $0x80, s21, s25, $0xb8;
	[tilespmem:$0x1D880] =	vst v63  }
0x3e: {  	s22 =	rddreg [dreg:$0x9];
	s8 =	simm.s32 $0x0;
	s10 =	smov.u32 s12  }
0x3f: {  	[tilespmem:s2], [sflag:$0x6] =	stream.indirect.gather [hbm4b:s1+s25], $0x80, s22, s25, $0xb8;
	[tilespmem:$0x1D880] =	vst v63  }
0x40: {  	s23 =	rddreg [dreg:$0xb];
	s10 =	smov.u32 @p1 s8;
	p1 =	sgt.s32 s12, $0x80  }
0x41: {  	[tilespmem:s0], [sflag:$0x7] =	stream.indirect.gather [hbm4b:s1+s25], $0x80, s23, s25, $0xb8;
	[tilespmem:$0x1D880] =	vst v63  }
0x42: {  	s8 =	sadd.s32 s9, s10;
	s10 =	simm.s32 $0x380;
	_ =	swait.ge [sflag:s13], $0x4000  }
0x43: {  	s14 =	smov.u32 s12;
	s8 =	sshll.u32 s8, $0x4;
	[sflag:s13] =	ssyncset.done $0x0  }
0x44: {  	s14 =	smov.u32 @p2 s10;
	s8 =	sadd.s32 s3, s8;
	[sflag:s13] =	ssyncadd.s32 $0xFFFFC000  }
0x45: {  	[hbm4b:s8+s4] =	stream.linear.scatter [tilespmem:s26], [sflag:$0x8], $0x4000, $0x38;
	[tilespmem:$0x1D880] =	vst v63  }
0x46: {  	s10 =	smov.u32 s12;
	p2 =	sgt.s32 s12, $0x400;
	_ =	swait.ge [sflag:s24], $0x4000  }
0x47: {  	s19 =	simm.s32 $0x680;
	s8 =	simm.s32 $0x80;
	[sflag:s24] =	ssyncset.done $0x0  }
0x48: {  	s20 =	smov.u32 s12;
	s5 =	smov.u32 @p1 s8;
	[sflag:s24] =	ssyncadd.s32 $0xFFFFC000  }
0x49: {  	[tilespmem:s26], [sflag:$0x1] =	stream.indirect.gather [hbm4b:s1+s25], $0x80, s14, s25, $0xb8;
	[tilespmem:$0x1D880] =	vst v63  }
0x4a: {  	s21 =	simm.s32 $0x280;
	s8 =	sadd.s32 s9, s5;
	_ =	swait.ge [sflag:s15], $0x4000  }
0x4b: {  	s22 =	smov.u32 s12;
	s8 =	sshll.u32 s8, $0x4;
	[sflag:s15] =	ssyncset.done $0x0  }
0x4c: {  	p1 =	sgt.s32 s12, $0x100;
	s8 =	sadd.s32 s3, s8;
	[sflag:s15] =	ssyncadd.s32 $0xFFFFC000  }
0x4d: {  	[hbm4b:s8+s4] =	stream.linear.scatter [tilespmem:s28], [sflag:$0x8], $0x4000, $0x38;
	[tilespmem:$0x1D880] =	vst v63  }
0x4e: {  	s5 =	simm.s32 $0x400;
	s14 =	smov.u32 s12;
	_ =	swait.ge [sflag:s24], $0x4000  }
0x4f: {  	s14 =	smov.u32 @p2 s5;
	s8 =	simm.s32 $0x100;
	[sflag:s24] =	ssyncset.done $0x0  }
0x50: {  	s5 =	simm.s32 $0x480;
	s10 =	smov.u32 @p1 s8;
	[sflag:s24] =	ssyncadd.s32 $0xFFFFC000  }
0x51: {  	[tilespmem:s28], [sflag:$0x2] =	stream.indirect.gather [hbm4b:s1+s25], $0x80, s14, s25, $0xb8;
	[tilespmem:$0x1D880] =	vst v63  }
0x52: {  	p2 =	sgt.s32 s12, $0x480;
	s8 =	sadd.s32 s9, s10;
	_ =	swait.ge [sflag:s11], $0x4000  }
0x53: {  	p1 =	sgt.s32 s12, $0x180;
	s8 =	sshll.u32 s8, $0x4;
	[sflag:s11] =	ssyncset.done $0x0  }
0x54: {  	s8 =	sadd.s32 s3, s8;
	s14 =	smov.u32 s12;
	[sflag:s11] =	ssyncadd.s32 $0xFFFFC000  }
0x55: {  	[hbm4b:s8+s4] =	stream.linear.scatter [tilespmem:s29], [sflag:$0x8], $0x4000, $0x38;
	[tilespmem:$0x1D880] =	vst v63  }
0x56: {  	s10 =	smov.u32 s12;
	s14 =	smov.u32 @p2 s5;
	_ =	swait.ge [sflag:s24], $0x4000  }
0x57: {  	s5 =	simm.s32 $0x500;
	s8 =	simm.s32 $0x180;
	[sflag:s24] =	ssyncset.done $0x0  }
0x58: {  	p2 =	sgt.s32 s12, $0x500;
	s10 =	smov.u32 @p1 s8;
	[sflag:s24] =	ssyncadd.s32 $0xFFFFC000  }
0x59: {  	[tilespmem:s29], [sflag:$0x3] =	stream.indirect.gather [hbm4b:s1+s25], $0x80, s14, s25, $0xb8;
	[tilespmem:$0x1D880] =	vst v63  }
0x5a: {  	s20 =	smov.u32 @p2 s5;
	s8 =	sadd.s32 s9, s10;
	_ =	swait.ge [sflag:s16], $0x4000  }
0x5b: {  	p2 =	sgt.s32 s12, $0x380;
	s10 =	sshll.u32 s8, $0x4;
	[sflag:s16] =	ssyncset.done $0x0  }
0x5c: {  	p1 =	sgt.s32 s12, $0x200;
	s10 =	sadd.s32 s3, s10;
	[sflag:s16] =	ssyncadd.s32 $0xFFFFC000  }
0x5d: {  	[hbm4b:s10+s4] =	stream.linear.scatter [tilespmem:s30], [sflag:$0x8], $0x4000, $0x38;
	[tilespmem:$0x1D880] =	vst v63  }
0x5e: {  	s14 =	smov.u32 s12;
	s10 =	simm.s32 $0x200;
	_ =	swait.ge [sflag:s24], $0x4000  }
0x5f: {  	s8 =	simm.s32 $0xA00;
	s14 =	smov.u32 @p1 s10;
	[sflag:s24] =	ssyncset.done $0x0  }
0x60: {  	p1 =	sgt.s32 s12, $0x580;
	s10 =	sadd.s32 s9, s14;
	[sflag:s24] =	ssyncadd.s32 $0xFFFFC000  }
0x61: {  	[tilespmem:s30], [sflag:$0x4] =	stream.indirect.gather [hbm4b:s1+s25], $0x80, s20, s25, $0xb8;
	[tilespmem:$0x1D880] =	vst v63  }
0x62: {  	s14 =	simm.s32 $0x580;
	s10 =	sshll.u32 s10, $0x4;
	_ =	swait.ge [sflag:s17], $0x4000  }
0x63: {  	s22 =	smov.u32 @p1 s14;
	p1 =	sgt.s32 s12, $0x280;
	[sflag:s17] =	ssyncset.done $0x0  }
0x64: {  	s14 =	smov.u32 s12;
	s10 =	sadd.s32 s3, s10;
	[sflag:s17] =	ssyncadd.s32 $0xFFFFC000  }
0x65: {  	[hbm4b:s10+s4] =	stream.linear.scatter [tilespmem:s31], [sflag:$0x8], $0x4000, $0x38;
	[tilespmem:$0x1D880] =	vst v63  }
0x66: {  	s20 =	simm.s32 $0xD80;
	s14 =	smov.u32 @p1 s21;
	_ =	swait.ge [sflag:s24], $0x4000  }
0x67: {  	s21 =	simm.s32 $0x300;
	s14 =	sadd.s32 s9, s14;
	[sflag:s24] =	ssyncset.done $0x0  }
0x68: {  	p1 =	sgt.s32 s12, $0x300;
	s14 =	sshll.u32 s14, $0x4;
	[sflag:s24] =	ssyncadd.s32 $0xFFFFC000  }
0x69: {  	[tilespmem:s31], [sflag:$0x5] =	stream.indirect.gather [hbm4b:s1+s25], $0x80, s22, s25, $0xb8;
	[tilespmem:$0x1D880] =	vst v63  }
0x6a: {  	s23 =	sadd.s32 s3, s14;
	s22 =	smov.u32 s12;
	_ =	swait.ge [sflag:s18], $0x4000  }
0x6b: {  	s10 =	simm.s32 $0x980;
	s22 =	smov.u32 @p1 s21;
	[sflag:s18] =	ssyncset.done $0x0  }
0x6c: {  	s21 =	simm.s32 $0x380;
	s22 =	sadd.s32 s9, s22;
	[sflag:s18] =	ssyncadd.s32 $0xFFFFC000  }
.LBB2_2:
0x6d: {  	[hbm4b:s23+s4] =	stream.linear.scatter [tilespmem:s2], [sflag:$0x8], $0x4000, $0x38;
	[tilespmem:$0x1D880] =	vst v63  }
0x6e: {  	s23 =	smov.u32 s20  }
0x6f: {  	s14 =	smov.u32 s12;
	p1 =	slt.s32 s7, s12;
	s5 =	smov.u32 s12  }
0x70: {  	s14 =	smov.u32 @p2 s21;
	_ =	swait.ge [sflag:s24], $0x4000;
	s5 =	smov.u32 @p1 s7  }
0x71: {  	s7 =	sshll.u32 s22, $0x4;
	s21 =	sadd.s32 s9, s14;
	[sflag:s24] =	ssyncset.done $0x0  }
0x72: {  	s14 =	sadd.s32 $0x380, s20;
	s21 =	sshll.u32 s21, $0x4;
	[sflag:s24] =	ssyncadd.s32 $0xFFFFC000  }
0x73: {  	[tilespmem:s2], [sflag:$0x6] =	stream.indirect.gather [hbm4b:s1+s25], $0x80, s5, s25, $0xb8;
	[tilespmem:$0x1D880] =	vst v63  }
0x74: {  	p1 =	sne.s32 s20, $0x1800;
	s5 =	sadd.s32 $0xFFFFFF80, s23;
	_ =	swait.ge [sflag:s6], $0x4000  }
0x75: {  	p2 =	slt.s32 s19, s12;
	s20 =	sadd.s32 s3, s7;
	[sflag:s6] =	ssyncset.done $0x0  }
0x76: {  	s7 =	smov.u32 s10;
	s10 =	smov.u32 s5;
	[sflag:s6] =	ssyncadd.s32 $0xFFFFC000  }
0x77: {  	[hbm4b:s20+s4] =	stream.linear.scatter [tilespmem:s0], [sflag:$0x8], $0x4000, $0x38;
	[tilespmem:$0x1D880] =	vst v63  }
0x78: {  	s5 =	sadd.s32 $0xFFFFFA00, s8;
	s20 =	smov.u32 s12;
	_ =	swait.ge [sflag:s24], $0x4000  }
0x79: {  	p3 =	slt.s32 s5, s12;
	s20 =	smov.u32 @p2 s19;
	[sflag:s24] =	ssyncset.done $0x0  }
0x7a: {  	s22 =	sadd.s32 $0xFFFFFD00, s8;
	s19 =	smov.u32 s8;
	[sflag:s24] =	ssyncadd.s32 $0xFFFFC000  }
0x7b: {  	[tilespmem:s0], [sflag:$0x7] =	stream.indirect.gather [hbm4b:s1+s25], $0x80, s20, s25, $0xb8;
	[tilespmem:$0x1D880] =	vst v63  }
0x7c: {  	p2 =	slt.s32 s22, s12;
	s20 =	smov.u32 s12  }
0x7d: {  	_ =	swait.ge [sflag:s13], $0x4000;
	s20 =	smov.u32 @p3 s5;
	s5 =	smov.u32 s12  }
0x7e: {  	s8 =	smov.u32 s23;
	[sflag:s13] =	ssyncset.done $0x0;
	s5 =	smov.u32 @p2 s22  }
0x7f: {  	s21 =	sadd.s32 s3, s21;
	s20 =	sadd.s32 s9, s20;
	[sflag:s13] =	ssyncadd.s32 $0xFFFFC000  }
0x80: {  	[hbm4b:s21+s4] =	stream.linear.scatter [tilespmem:s26], [sflag:$0x8], $0x4000, $0x38;
	[tilespmem:$0x1D880] =	vst v63  }
0x81: {  	s20 =	sshll.u32 s20, $0x4;
	s21 =	sadd.s32 $0xFFFFFA80, s19;
	_ =	swait.ge [sflag:s24], $0x4000  }
0x82: {  	s22 =	smov.u32 s12;
	p2 =	slt.s32 s21, s12;
	[sflag:s24] =	ssyncset.done $0x0  }
0x83: {  	s20 =	sadd.s32 s3, s20;
	s22 =	smov.u32 @p2 s21;
	[sflag:s24] =	ssyncadd.s32 $0xFFFFC000  }
0x84: {  	[tilespmem:s26], [sflag:$0x1] =	stream.indirect.gather [hbm4b:s1+s25], $0x80, s5, s25, $0xb8;
	[tilespmem:$0x1D880] =	vst v63  }
0x85: {  	s21 =	sadd.s32 s9, s22;
	s5 =	sadd.s32 $0xFFFFFD80, s19;
	_ =	swait.ge [sflag:s15], $0x4000  }
0x86: {  	s22 =	smov.u32 s12;
	p2 =	slt.s32 s5, s12;
	[sflag:s15] =	ssyncset.done $0x0  }
0x87: {  	s22 =	smov.u32 @p2 s5;
	[sflag:s15] =	ssyncadd.s32 $0xFFFFC000  }
0x88: {  	[hbm4b:s20+s4] =	stream.linear.scatter [tilespmem:s28], [sflag:$0x8], $0x4000, $0x38;
	[tilespmem:$0x1D880] =	vst v63  }
0x89: {  	s5 =	sadd.s32 $0xFFFFFB00, s19;
	_ =	swait.ge [sflag:s24], $0x4000  }
0x8a: {  	p2 =	slt.s32 s5, s12;
	[sflag:s24] =	ssyncset.done $0x0  }
0x8b: {  	s20 =	sshll.u32 s21, $0x4;
	s21 =	smov.u32 s12;
	[sflag:s24] =	ssyncadd.s32 $0xFFFFC000  }
0x8c: {  	[tilespmem:s28], [sflag:$0x2] =	stream.indirect.gather [hbm4b:s1+s25], $0x80, s22, s25, $0xb8;
	[tilespmem:$0x1D880] =	vst v63  }
0x8d: {  	s20 =	sadd.s32 s3, s20;
	s21 =	smov.u32 @p2 s5;
	_ =	swait.ge [sflag:s11], $0x4000  }
0x8e: {  	s5 =	sadd.s32 s9, s21;
	[sflag:s11] =	ssyncset.done $0x0  }
0x8f: {  	s21 =	sadd.s32 $0xFFFFFE00, s19;
	[sflag:s11] =	ssyncadd.s32 $0xFFFFC000  }
0x90: {  	[hbm4b:s20+s4] =	stream.linear.scatter [tilespmem:s29], [sflag:$0x8], $0x4000, $0x38;
	[tilespmem:$0x1D880] =	vst v63  }
0x91: {  	p2 =	slt.s32 s21, s12;
	s20 =	smov.u32 s12;
	_ =	swait.ge [sflag:s24], $0x4000  }
0x92: {  	s20 =	smov.u32 @p2 s21;
	[sflag:s24] =	ssyncset.done $0x0  }
0x93: {  	[sflag:s24] =	ssyncadd.s32 $0xFFFFC000  }
0x94: {  	[tilespmem:s29], [sflag:$0x3] =	stream.indirect.gather [hbm4b:s1+s25], $0x80, s20, s25, $0xb8;
	[tilespmem:$0x1D880] =	vst v63  }
0x95: {  	s5 =	sshll.u32 s5, $0x4;
	_ =	swait.ge [sflag:s16], $0x4000  }
0x96: {  	s5 =	sadd.s32 s3, s5;
	s20 =	sadd.s32 $0xFFFFFB80, s19;
	[sflag:s16] =	ssyncset.done $0x0  }
0x97: {  	s21 =	sadd.s32 $0xFFFFFE80, s19;
	p2 =	slt.s32 s20, s12;
	[sflag:s16] =	ssyncadd.s32 $0xFFFFC000  }
0x98: {  	[hbm4b:s5+s4] =	stream.linear.scatter [tilespmem:s30], [sflag:$0x8], $0x4000, $0x38;
	[tilespmem:$0x1D880] =	vst v63  }
0x99: {  	p3 =	slt.s32 s21, s12;
	s5 =	smov.u32 s12  }
0x9a: {  	_ =	swait.ge [sflag:s24], $0x4000;
	s5 =	smov.u32 @p2 s20;
	s20 =	smov.u32 s12  }
0x9b: {  	[sflag:s24] =	ssyncset.done $0x0;
	s20 =	smov.u32 @p3 s21;
	s5 =	sadd.s32 s9, s5  }
0x9c: {  	[sflag:s24] =	ssyncadd.s32 $0xFFFFC000;
	s5 =	sshll.u32 s5, $0x4  }
0x9d: {  	[tilespmem:s30], [sflag:$0x4] =	stream.indirect.gather [hbm4b:s1+s25], $0x80, s20, s25, $0xb8;
	[tilespmem:$0x1D880] =	vst v63  }
0x9e: {  	_ =	swait.ge [sflag:s17], $0x4000  }
0x9f: {  	s21 =	smov.u32 s12;
	s20 =	sadd.s32 $0xFFFFFF00, s19;
	[sflag:s17] =	ssyncset.done $0x0  }
0xa0: {  	s5 =	sadd.s32 s3, s5;
	p2 =	slt.s32 s20, s12;
	[sflag:s17] =	ssyncadd.s32 $0xFFFFC000  }
0xa1: {  	[hbm4b:s5+s4] =	stream.linear.scatter [tilespmem:s31], [sflag:$0x8], $0x4000, $0x38;
	[tilespmem:$0x1D880] =	vst v63  }
0xa2: {  	s21 =	smov.u32 @p2 s20;
	s5 =	sadd.s32 $0xFFFFFC00, s19;
	_ =	swait.ge [sflag:s24], $0x4000  }
0xa3: {  	s20 =	smov.u32 s12;
	p2 =	slt.s32 s5, s12;
	[sflag:s24] =	ssyncset.done $0x0  }
0xa4: {  	s20 =	smov.u32 @p2 s5;
	[sflag:s24] =	ssyncadd.s32 $0xFFFFC000  }
0xa5: {  	[tilespmem:s31], [sflag:$0x5] =	stream.indirect.gather [hbm4b:s1+s25], $0x80, s21, s25, $0xb8;
	[tilespmem:$0x1D880] =	vst v63  }
.Ltmp0:
0xa6: {  	s22 =	smov.u32 s12;
	s5 =	sadd.s32 s9, s20;
	(pc) =	sbr.rel @p1 .LBB2_2-.Ltmp0, $4  }
0xa7: {  	s20 =	sadd.s32 $0xFFFFFC80, s19;
	s5 =	sshll.u32 s5, $0x4;
	_ =	swait.ge [sflag:s18], $0x4000  }
0xa8: {  	p2 =	slt.s32 s20, s12;
	s21 =	sadd.s32 $0xFFFFF980, s8;
	[sflag:s18] =	ssyncset.done $0x0  }
0xa9: {  	s22 =	smov.u32 @p2 s20;
	p2 =	slt.s32 s21, s12;
	[sflag:s18] =	ssyncadd.s32 $0xFFFFC000  }
0xaa: {  	s23 =	sadd.s32 s3, s5;
	s20 =	smov.u32 s14;
	s22 =	sadd.s32 s9, s22  }
0xab: {  	[hbm4b:s23+s4] =	stream.linear.scatter [tilespmem:s2], [sflag:$0x8], $0x4000, $0x38;
	[tilespmem:$0x1D880] =	vst v63  }
0xac: {  	_ =	swait.ge [sflag:s24], $0x4000  }
0xad: {  	p1 =	slt.s32 s7, s12;
	s5 =	smov.u32 s12;
	[sflag:s24] =	ssyncset.done $0x0  }
0xae: {  	s5 =	smov.u32 @p1 s7;
	[sflag:s24] =	ssyncadd.s32 $0xFFFFC000  }
0xaf: {  	[tilespmem:s2], [sflag:$0x6] =	stream.indirect.gather [hbm4b:s1+s25], $0x80, s5, s25, $0xb8;
	[tilespmem:$0x1D880] =	vst v63  }
0xb0: {  	_ =	swait.ge [sflag:s6], $0x4000  }
0xb1: {  	s22 =	sshll.u32 s22, $0x4;
	[sflag:s6] =	ssyncset.done $0x0  }
0xb2: {  	s5 =	sadd.s32 s3, s22;
	[sflag:s6] =	ssyncadd.s32 $0xFFFFC000  }
0xb3: {  	[hbm4b:s5+s4] =	stream.linear.scatter [tilespmem:s0], [sflag:$0x8], $0x4000, $0x38;
	[tilespmem:$0x1D880] =	vst v63  }
0xb4: {  	p1 =	slt.s32 s19, s12;
	_ =	swait.ge [sflag:s24], $0x4000  }
0xb5: {  	s7 =	smov.u32 s12;
	s5 =	smov.u32 s12;
	[sflag:s24] =	ssyncset.done $0x0  }
0xb6: {  	s7 =	smov.u32 @p1 s19;
	s5 =	smov.u32 @p2 s21;
	[sflag:s24] =	ssyncadd.s32 $0xFFFFC000  }
0xb7: {  	[tilespmem:s0], [sflag:$0x7] =	stream.indirect.gather [hbm4b:s1+s25], $0x80, s7, s25, $0xb8;
	[tilespmem:$0x1D880] =	vst v63  }
0xb8: {  	s5 =	sadd.s32 s9, s5;
	_ =	swait.ge [sflag:s13], $0x4000  }
0xb9: {  	s14 =	smov.u32 s12;
	s5 =	sshll.u32 s5, $0x4;
	[sflag:s13] =	ssyncset.done $0x0  }
0xba: {  	s19 =	smov.u32 s12;
	s5 =	sadd.s32 s3, s5;
	[sflag:s13] =	ssyncadd.s32 $0xFFFFC000  }
0xbb: {  	[hbm4b:s5+s4] =	stream.linear.scatter [tilespmem:s26], [sflag:$0x8], $0x4000, $0x38;
	[tilespmem:$0x1D880] =	vst v63  }
0xbc: {  	s7 =	sadd.s32 $0xFFFFFD00, s8;
	s5 =	sadd.s32 $0xFFFFFA00, s8;
	_ =	swait.ge [sflag:s24], $0x4000  }
0xbd: {  	p2 =	slt.s32 s7, s12;
	p1 =	slt.s32 s5, s12;
	[sflag:s24] =	ssyncset.done $0x0  }
0xbe: {  	s19 =	smov.u32 @p2 s7;
	s14 =	smov.u32 @p1 s5;
	[sflag:s24] =	ssyncadd.s32 $0xFFFFC000  }
0xbf: {  	[tilespmem:s26], [sflag:$0x1] =	stream.indirect.gather [hbm4b:s1+s25], $0x80, s19, s25, $0xb8;
	[tilespmem:$0x1D880] =	vst v63  }
0xc0: {  	s5 =	sadd.s32 s9, s14;
	_ =	swait.ge [sflag:s15], $0x4000  }
0xc1: {  	s7 =	sadd.s32 $0xFFFFFD80, s8;
	s5 =	sshll.u32 s5, $0x4;
	[sflag:s15] =	ssyncset.done $0x0  }
0xc2: {  	p2 =	slt.s32 s7, s12;
	s5 =	sadd.s32 s3, s5;
	[sflag:s15] =	ssyncadd.s32 $0xFFFFC000  }
0xc3: {  	[hbm4b:s5+s4] =	stream.linear.scatter [tilespmem:s28], [sflag:$0x8], $0x4000, $0x38;
	[tilespmem:$0x1D880] =	vst v63  }
0xc4: {  	s14 =	smov.u32 s12;
	s5 =	sadd.s32 $0xFFFFFA80, s8;
	_ =	swait.ge [sflag:s24], $0x4000  }
0xc5: {  	s19 =	smov.u32 s12;
	p1 =	slt.s32 s5, s12;
	[sflag:s24] =	ssyncset.done $0x0  }
0xc6: {  	s19 =	smov.u32 @p2 s7;
	s14 =	smov.u32 @p1 s5;
	[sflag:s24] =	ssyncadd.s32 $0xFFFFC000  }
0xc7: {  	[tilespmem:s28], [sflag:$0x2] =	stream.indirect.gather [hbm4b:s1+s25], $0x80, s19, s25, $0xb8;
	[tilespmem:$0x1D880] =	vst v63  }
0xc8: {  	s5 =	sadd.s32 s9, s14;
	_ =	swait.ge [sflag:s11], $0x4000  }
0xc9: {  	s7 =	sadd.s32 $0xFFFFFE00, s8;
	s5 =	sshll.u32 s5, $0x4;
	[sflag:s11] =	ssyncset.done $0x0  }
0xca: {  	p2 =	slt.s32 s7, s12;
	s5 =	sadd.s32 s3, s5;
	[sflag:s11] =	ssyncadd.s32 $0xFFFFC000  }
0xcb: {  	[hbm4b:s5+s4] =	stream.linear.scatter [tilespmem:s29], [sflag:$0x8], $0x4000, $0x38;
	[tilespmem:$0x1D880] =	vst v63  }
0xcc: {  	s14 =	smov.u32 s12;
	s5 =	sadd.s32 $0xFFFFFB00, s8;
	_ =	swait.ge [sflag:s24], $0x4000  }
0xcd: {  	s19 =	smov.u32 s12;
	p1 =	slt.s32 s5, s12;
	[sflag:s24] =	ssyncset.done $0x0  }
0xce: {  	s19 =	smov.u32 @p2 s7;
	s14 =	smov.u32 @p1 s5;
	[sflag:s24] =	ssyncadd.s32 $0xFFFFC000  }
0xcf: {  	[tilespmem:s29], [sflag:$0x3] =	stream.indirect.gather [hbm4b:s1+s25], $0x80, s19, s25, $0xb8;
	[tilespmem:$0x1D880] =	vst v63  }
0xd0: {  	s5 =	sadd.s32 s9, s14;
	_ =	swait.ge [sflag:s16], $0x4000  }
0xd1: {  	s7 =	sadd.s32 $0xFFFFFE80, s8;
	s5 =	sshll.u32 s5, $0x4;
	[sflag:s16] =	ssyncset.done $0x0  }
0xd2: {  	p2 =	slt.s32 s7, s12;
	s5 =	sadd.s32 s3, s5;
	[sflag:s16] =	ssyncadd.s32 $0xFFFFC000  }
0xd3: {  	[hbm4b:s5+s4] =	stream.linear.scatter [tilespmem:s30], [sflag:$0x8], $0x4000, $0x38;
	[tilespmem:$0x1D880] =	vst v63  }
0xd4: {  	s14 =	smov.u32 s12;
	s5 =	sadd.s32 $0xFFFFFB80, s8;
	_ =	swait.ge [sflag:s24], $0x4000  }
0xd5: {  	s19 =	smov.u32 s12;
	p1 =	slt.s32 s5, s12;
	[sflag:s24] =	ssyncset.done $0x0  }
0xd6: {  	s19 =	smov.u32 @p2 s7;
	s14 =	smov.u32 @p1 s5;
	[sflag:s24] =	ssyncadd.s32 $0xFFFFC000  }
0xd7: {  	[tilespmem:s30], [sflag:$0x4] =	stream.indirect.gather [hbm4b:s1+s25], $0x80, s19, s25, $0xb8;
	[tilespmem:$0x1D880] =	vst v63  }
0xd8: {  	s5 =	sadd.s32 s9, s14;
	_ =	swait.ge [sflag:s17], $0x4000  }
0xd9: {  	s7 =	sadd.s32 $0xFFFFFC00, s8;
	s5 =	sshll.u32 s5, $0x4;
	[sflag:s17] =	ssyncset.done $0x0  }
0xda: {  	p2 =	slt.s32 s7, s12;
	s5 =	sadd.s32 s3, s5;
	[sflag:s17] =	ssyncadd.s32 $0xFFFFC000  }
0xdb: {  	[hbm4b:s5+s4] =	stream.linear.scatter [tilespmem:s31], [sflag:$0x8], $0x4000, $0x38;
	[tilespmem:$0x1D880] =	vst v63  }
0xdc: {  	s14 =	smov.u32 s12;
	s5 =	sadd.s32 $0xFFFFFF00, s8;
	_ =	swait.ge [sflag:s24], $0x4000  }
0xdd: {  	s19 =	smov.u32 s12;
	p1 =	slt.s32 s5, s12;
	[sflag:s24] =	ssyncset.done $0x0  }
0xde: {  	s19 =	smov.u32 @p2 s7;
	s14 =	smov.u32 @p1 s5;
	[sflag:s24] =	ssyncadd.s32 $0xFFFFC000  }
0xdf: {  	[tilespmem:s31], [sflag:$0x5] =	stream.indirect.gather [hbm4b:s1+s25], $0x80, s14, s25, $0xb8;
	[tilespmem:$0x1D880] =	vst v63  }
0xe0: {  	s23 =	sadd.s32 s9, s19;
	_ =	swait.ge [sflag:s18], $0x4000  }
0xe1: {  	s5 =	sshll.u32 s23, $0x4;
	[sflag:s18] =	ssyncset.done $0x0  }
0xe2: {  	s7 =	smov.u32 s12;
	s5 =	sadd.s32 s3, s5;
	[sflag:s18] =	ssyncadd.s32 $0xFFFFC000  }
0xe3: {  	[hbm4b:s5+s4] =	stream.linear.scatter [tilespmem:s2], [sflag:$0x8], $0x4000, $0x38;
	[tilespmem:$0x1D880] =	vst v63  }
0xe4: {  	p2 =	slt.s32 s10, s12;
	s5 =	sadd.s32 $0xFFFFFC80, s8;
	_ =	swait.ge [sflag:s24], $0x4000  }
0xe5: {  	s14 =	smov.u32 s12;
	p1 =	slt.s32 s5, s12;
	[sflag:s24] =	ssyncset.done $0x0  }
0xe6: {  	s14 =	smov.u32 @p2 s10;
	s7 =	smov.u32 @p1 s5;
	[sflag:s24] =	ssyncadd.s32 $0xFFFFC000  }
0xe7: {  	[tilespmem:s2], [sflag:$0x6] =	stream.indirect.gather [hbm4b:s1+s25], $0x80, s14, s25, $0xb8;
	[tilespmem:$0x1D880] =	vst v63  }
0xe8: {  	s5 =	sadd.s32 s9, s7;
	_ =	swait.ge [sflag:s6], $0x4000  }
0xe9: {  	s5 =	sshll.u32 s5, $0x4;
	[sflag:s6] =	ssyncset.done $0x0  }
0xea: {  	s5 =	sadd.s32 s3, s5;
	[sflag:s6] =	ssyncadd.s32 $0xFFFFC000  }
0xeb: {  	[hbm4b:s5+s4] =	stream.linear.scatter [tilespmem:s0], [sflag:$0x8], $0x4000, $0x38;
	[tilespmem:$0x1D880] =	vst v63  }
0xec: {  	_ =	swait.ge [sflag:s24], $0x4000  }
0xed: {  	p1 =	slt.s32 s8, s12;
	s5 =	smov.u32 s12;
	[sflag:s24] =	ssyncset.done $0x0  }
0xee: {  	s5 =	smov.u32 @p1 s8;
	[sflag:s24] =	ssyncadd.s32 $0xFFFFC000  }
0xef: {  	[tilespmem:s0], [sflag:$0x7] =	stream.indirect.gather [hbm4b:s1+s25], $0x80, s5, s25, $0xb8;
	[tilespmem:$0x1D880] =	vst v63  }
0xf0: {  	_ =	swait.ge [sflag:s13], $0x4000  }
0xf1: {  	[sflag:s13] =	ssyncset.done $0x0  }
0xf2: {  	s7 =	rddreg [dreg:$0xd];
	[sflag:s13] =	ssyncadd.s32 $0xFFFFC000  }
0xf3: {  	[hbm4b:s7+s4] =	stream.linear.scatter [tilespmem:s26], [sflag:$0x8], $0x4000, $0x38;
	[tilespmem:$0x1D880] =	vst v63  }
0xf4: {  	_ =	swait.ge [sflag:s24], $0x4000  }
0xf5: {  	[sflag:s24] =	ssyncset.done $0x0  }
0xf6: {  	[sflag:s24] =	ssyncadd.s32 $0xFFFFC000  }
0xf7: {  	_ =	swait.ge [sflag:s15], $0x4000  }
0xf8: {  	[sflag:s15] =	ssyncset.done $0x0  }
0xf9: {  	s8 =	rddreg [dreg:$0xe];
	[sflag:s15] =	ssyncadd.s32 $0xFFFFC000  }
0xfa: {  	[hbm4b:s8+s4] =	stream.linear.scatter [tilespmem:s28], [sflag:$0x8], $0x4000, $0x38;
	[tilespmem:$0x1D880] =	vst v63  }
0xfb: {  	_ =	swait.ge [sflag:s24], $0x4000  }
0xfc: {  	[sflag:s24] =	ssyncset.done $0x0  }
0xfd: {  	[sflag:s24] =	ssyncadd.s32 $0xFFFFC000  }
0xfe: {  	_ =	swait.ge [sflag:s11], $0x4000  }
0xff: {  	[sflag:s11] =	ssyncset.done $0x0  }
0x100: {  	s10 =	rddreg [dreg:$0xf];
	[sflag:s11] =	ssyncadd.s32 $0xFFFFC000  }
0x101: {  	[hbm4b:s10+s4] =	stream.linear.scatter [tilespmem:s29], [sflag:$0x8], $0x4000, $0x38;
	[tilespmem:$0x1D880] =	vst v63  }
0x102: {  	_ =	swait.ge [sflag:s24], $0x4000  }
0x103: {  	[sflag:s24] =	ssyncset.done $0x0  }
0x104: {  	[sflag:s24] =	ssyncadd.s32 $0xFFFFC000  }
0x105: {  	_ =	swait.ge [sflag:s16], $0x4000  }
0x106: {  	[sflag:s16] =	ssyncset.done $0x0  }
0x107: {  	s14 =	rddreg [dreg:$0x10];
	[sflag:s16] =	ssyncadd.s32 $0xFFFFC000  }
0x108: {  	[hbm4b:s14+s4] =	stream.linear.scatter [tilespmem:s30], [sflag:$0x8], $0x4000, $0x38;
	[tilespmem:$0x1D880] =	vst v63  }
0x109: {  	_ =	swait.ge [sflag:s24], $0x4000  }
0x10a: {  	[sflag:s24] =	ssyncset.done $0x0  }
0x10b: {  	[sflag:s24] =	ssyncadd.s32 $0xFFFFC000  }
0x10c: {  	_ =	swait.ge [sflag:s17], $0x4000  }
0x10d: {  	[sflag:s17] =	ssyncset.done $0x0  }
0x10e: {  	s19 =	rddreg [dreg:$0x11];
	[sflag:s17] =	ssyncadd.s32 $0xFFFFC000  }
0x10f: {  	[hbm4b:s19+s4] =	stream.linear.scatter [tilespmem:s31], [sflag:$0x8], $0x4000, $0x38;
	[tilespmem:$0x1D880] =	vst v63  }
0x110: {  	_ =	swait.ge [sflag:s24], $0x4000  }
0x111: {  	[sflag:s24] =	ssyncset.done $0x0  }
0x112: {  	[sflag:s24] =	ssyncadd.s32 $0xFFFFC000  }
0x113: {  	_ =	swait.ge [sflag:s18], $0x4000  }
0x114: {  	[sflag:s18] =	ssyncset.done $0x0  }
0x115: {  	s20 =	rddreg [dreg:$0x12];
	[sflag:s18] =	ssyncadd.s32 $0xFFFFC000  }
0x116: {  	[hbm4b:s20+s4] =	stream.linear.scatter [tilespmem:s2], [sflag:$0x8], $0x4000, $0x38;
	[tilespmem:$0x1D880] =	vst v63  }
0x117: {  	_ =	swait.ge [sflag:s24], $0x4000  }
0x118: {  	[sflag:s24] =	ssyncset.done $0x0  }
0x119: {  	[sflag:s24] =	ssyncadd.s32 $0xFFFFC000  }
0x11a: {  	_ =	swait.ge [sflag:s6], $0x4000  }
0x11b: {  	[sflag:s6] =	ssyncset.done $0x0  }
0x11c: {  	s21 =	rddreg [dreg:$0x13];
	[sflag:s6] =	ssyncadd.s32 $0xFFFFC000  }
0x11d: {  	[hbm4b:s21+s4] =	stream.linear.scatter [tilespmem:s0], [sflag:$0x8], $0x4000, $0x38;
	[tilespmem:$0x1D880] =	vst v63  }
0x11e: {  	_ =	swait.ge [sflag:s24], $0x4000  }
0x11f: {  	s22 =	rddreg [dreg:$0x15]  }
0x120: {  	s23 =	rddreg [dreg:$0x14];
	s7 =	sadd.s32 $0x1, s22  }
0x121: {  	p1 =	sne.s32 s7, s23  }
.Ltmp1:
0x122: {  	_ = 	snop;
	(pc) =	sbr.rel @p1 .LBB2_1-.Ltmp1, $3  }
0x123: {  	_ =	sdelay $0x1  }
0x124: {  	[sflag:s24] =	ssyncset.done $0x0  }
0x125: {  	[sflag:s24] =	ssyncadd.s32 $0xFFFFC000  }
0x126: {  	_ =	sfence.sel $0x180000  }
0x127: {  	[bflag:$0x0] =	sbarrier.arrive $0xFFFF  }
0x128: {  	_ =	strace $0x90000047  }
0x129: {  	s0 =	stileid.u32;
	[bflag:$0x2] =	sbarrier.arrive $0xFFFF  }
0x12a: {  	p0 =	sne.s32 s0, $0x0;
	s0 =	rddreg [dreg:$0x3]  }
0x12b: {  	s0 =	sadd.s32 @!p0 $0x100000, s0  }
0x12c: {  	[sflag:s0] =	ssyncadd.tile.s32 @!p0 $0x1;
	_ =	shalt  }
.Lfunc_end2:
_tile_overlayer_lowered:
.L_overlay_start_2:
0x12d: {  	(tag) =	ssettag $0x2  }
0x12e: {  	s0 =	rddreg [dreg:$0x0];
	s2 =	stileid.u32  }
0x12f: {  	s1 =	rddreg [dreg:$0x1];
	p0 =	sne.s32 s2, $0x0  }
0x130: {  	s3 =	rddreg [dreg:$0x2];
	[bflag:$0x3] =	sbarrier.arrive $0xFFFF;
	s2 =	simm.s32 @!p0 $0x1C08  }
0x131: {  	[timem:s3], [sflag:s2] =	dma.local @!p0 [hbm:s0], s1  }
0x132: {  	s0 =	simm.s32 @!p0 $0x8  }
0x133: {  	_ =	swait.ge @!p0 [sflag:s0], s1  }
0x134: {  	s1 =	ssub.s32 @!p0 $0x0, s1;
	[sflag:s0] =	ssyncset.done @!p0 $0x0  }
0x135: {  	[sflag:s0] =	ssyncadd.s32 @!p0 s1  }
0x136: {  	[bflag:$0x3] =	sbarrier.arrive $0xFFFF  }
0x137: {  	_ =	shalt  }

</sc_bundles>
